<compile_context>
chip_gen: v7x
topology: tpu7x:2x2x1
jax: 0.10.2.dev20260603
libtpu: 0.0.44.dev20260713+nightly
codegen_flags: <defaults>
</compile_context>

<pallas_src>
import jax
import jax.numpy as jnp
from jax import lax
from jax.experimental import pallas as pl
from jax.experimental.pallas import tpu as pltpu
from jax.experimental.pallas import tpu_sc as plsc

B = 16
P = 8
H = 128
N = 10000
E = 160000
NPG = N // B

EBLK = 2000
NEBLK = E // EBLK

NW = 32
CHUNK = 125
NCH = 40
EPW = NCH * CHUNK
GPAD = 16


def _dot3(a, b):
    def hi(x):
        xi = lax.bitcast_convert_type(x, jnp.int32)
        return lax.bitcast_convert_type(
            jnp.bitwise_and(xi, jnp.int32(-65536)), jnp.float32)

    ahi = hi(a)
    alo = hi(a - ahi)
    bhi = hi(b)
    blo = hi(b - bhi)

    def d(x, y):
        return lax.dot_general(x, y, (((1,), (1,)), ((), ())),
                               preferred_element_type=jnp.float32,
                               precision=lax.Precision.HIGHEST)

    return d(ahi, bhi) + d(ahi, blo) + d(alo, bhi)


def _elu(x):
    return jnp.where(x > 0, x, jnp.exp(jnp.minimum(x, 0.0)) - 1.0)


def _sc_gather_body(dist_hbm, src_hbm, out_hbm, dist_v, src_v, dsrc_v):
    c = lax.axis_index("c")
    s = lax.axis_index("s")
    wid = s * 2 + c
    base = wid * EPW
    pltpu.sync_copy(dist_hbm, dist_v)
    pltpu.sync_copy(src_hbm.at[pl.ds(base, EPW + GPAD)], src_v)

    def gather(i, carry):
        idx = src_v[pl.ds(i * 16, 16)]
        dsrc_v[pl.ds(i * 16, 16)] = plsc.load_gather(dist_v, [idx])
        return carry

    lax.fori_loop(0, (EPW + 15) // 16, gather, 0)
    pltpu.sync_copy(dsrc_v.at[pl.ds(0, EPW)], out_hbm.at[pl.ds(base, EPW)])


def _sc_gather_call(distribution, src_pad):
    mesh = plsc.VectorSubcoreMesh(core_axis_name="c", subcore_axis_name="s")
    f = pl.kernel(
        _sc_gather_body,
        out_type=jax.ShapeDtypeStruct((E,), jnp.float32),
        mesh=mesh,
        scratch_types=[
            pltpu.VMEM((N,), jnp.float32),
            pltpu.VMEM((EPW + GPAD,), jnp.int32),
            pltpu.VMEM((EPW + GPAD,), jnp.float32),
        ],
        compiler_params=pltpu.CompilerParams(needs_layout_passes=False),
    )
    return f(distribution, src_pad)


def _edge_body(eg_ref, dsrc_ref, ea_ref, instr_ref, w7_ref, out_ref):
    oh = (eg_ref[0] == lax.broadcasted_iota(jnp.int32, (1, B), 1)).astype(jnp.float32)
    instr_g = jnp.dot(oh, instr_ref[...], preferred_element_type=jnp.float32)
    es = lax.dot_general(ea_ref[0], w7_ref[...], (((1,), (0,)), ((), ())),
                         preferred_element_type=jnp.float32)
    out_ref[0] = dsrc_ref[0] * _elu(instr_g * es)


def _edge_call(eg3, dsrc3, ea3, instruction, w7):
    return pl.pallas_call(
        _edge_body,
        grid=(NEBLK,),
        in_specs=[
            pl.BlockSpec((1, EBLK, 1), lambda i: (i, 0, 0)),
            pl.BlockSpec((1, EBLK, 1), lambda i: (i, 0, 0)),
            pl.BlockSpec((1, EBLK, H), lambda i: (i, 0, 0)),
            pl.BlockSpec((B, H), lambda i: (0, 0)),
            pl.BlockSpec((H, H), lambda i: (0, 0)),
        ],
        out_specs=pl.BlockSpec((1, EBLK, H), lambda i: (i, 0, 0)),
        out_shape=jax.ShapeDtypeStruct((NEBLK, EBLK, H), jnp.float32),
    )(eg3, dsrc3, ea3, instruction, w7)


def _sc_scatter_body(msgs_hbm, dst_hbm, zeros_hbm, out_hbm, dst_v, buf_v, acc):
    c = lax.axis_index("c")
    s = lax.axis_index("s")
    wid = s * 2 + c
    pltpu.sync_copy(dst_hbm.at[pl.ds(wid * NCH, NCH)], dst_v)
    pltpu.sync_copy(zeros_hbm, acc.at[pl.ds(s * NPG, NPG)])
    plsc.subcore_barrier()

    def scatter(j, carry):
        row0 = wid * EPW + j * CHUNK
        pltpu.sync_copy(msgs_hbm.at[pl.ds(row0, CHUNK)], buf_v)
        pltpu.sync_copy(buf_v, acc.at[dst_v.at[j]], add=True)
        return carry

    lax.fori_loop(0, NCH, scatter, 0)
    plsc.subcore_barrier()
    pltpu.sync_copy(acc.at[pl.ds(s * NPG, NPG)],
                    out_hbm.at[c, pl.ds(s * NPG, NPG)])


def _sc_scatter_call(msgs, dst2, zeros_np):
    mesh = plsc.VectorSubcoreMesh(core_axis_name="c", subcore_axis_name="s")
    f = pl.kernel(
        _sc_scatter_body,
        out_type=jax.ShapeDtypeStruct((2, N, H), jnp.float32),
        mesh=mesh,
        scratch_types=[
            pltpu.VMEM((NCH, CHUNK), jnp.int32),
            pltpu.VMEM((CHUNK, H), jnp.float32),
            pltpu.VMEM_SHARED((N, H), jnp.float32),
        ],
        compiler_params=pltpu.CompilerParams(needs_layout_passes=False,
                                             use_tc_tiling_on_sc=False),
    )
    return f(msgs, dst2, zeros_np)


def _node_body(na_ref, instr_ref, pe_ref, wsp_ref, ns_ref, ps_ref):
    g = pl.program_id(0)
    instr_row = instr_ref[pl.ds(g, 1), :]
    logits = lax.dot_general(instr_row, pe_ref[...], (((1,), (1,)), ((), ())),
                             preferred_element_type=jnp.float32)
    m = jnp.max(logits, axis=1, keepdims=True)
    ex = jnp.exp(logits - m)
    ps = ex / jnp.sum(ex, axis=1, keepdims=True)
    ps_ref[0] = ps
    z = jnp.zeros((NPG, H), dtype=jnp.float32)
    for p in range(P - 1):
        wx = lax.dot_general(na_ref[0, :, p, :], wsp_ref[p],
                             (((1,), (0,)), ((), ())),
                             preferred_element_type=jnp.float32)
        z = z + ps[:, p:p + 1] * instr_row * wx
    ns_ref[0] = _elu(z)


def _node_call(na4, instruction, prop_embeds, Ws_property):
    return pl.pallas_call(
        _node_body,
        grid=(B,),
        in_specs=[
            pl.BlockSpec((1, NPG, P - 1, H), lambda g: (g, 0, 0, 0)),
            pl.BlockSpec((B, H), lambda g: (0, 0)),
            pl.BlockSpec((P, H), lambda g: (0, 0)),
            pl.BlockSpec((P - 1, H, H), lambda g: (0, 0, 0)),
        ],
        out_specs=[
            pl.BlockSpec((1, NPG, H), lambda g: (g, 0, 0)),
            pl.BlockSpec((1, 1, P), lambda g: (g, 0, 0)),
        ],
        out_shape=[
            jax.ShapeDtypeStruct((B, NPG, H), jnp.float32),
            jax.ShapeDtypeStruct((B, 1, P), jnp.float32),
        ],
    )(na4, instruction, prop_embeds, Ws_property)


MVB = 1000
NMVB = N // MVB


def _matvec_body(ns_ref, aggp_ref, wst_ref, wrel_ref, s_ref, r_ref):
    s_full = lax.dot_general(ns_ref[0], wst_ref[...], (((1,), (0,)), ((), ())),
                             preferred_element_type=jnp.float32)
    s_ref[0] = s_full[:, 0:1]
    agg = aggp_ref[0, 0] + aggp_ref[1, 0]
    r_full = lax.dot_general(agg, wrel_ref[...], (((1,), (0,)), ((), ())),
                             preferred_element_type=jnp.float32)
    r_ref[0] = r_full[:, 0:1]


def _matvec_call(ns3, aggp4, wst, wrel):
    return pl.pallas_call(
        _matvec_body,
        grid=(NMVB,),
        in_specs=[
            pl.BlockSpec((1, MVB, H), lambda i: (i, 0, 0)),
            pl.BlockSpec((2, 1, MVB, H), lambda i: (0, i, 0, 0)),
            pl.BlockSpec((H, H), lambda i: (0, 0)),
            pl.BlockSpec((H, H), lambda i: (0, 0)),
        ],
        out_specs=[
            pl.BlockSpec((1, MVB, 1), lambda i: (i, 0, 0)),
            pl.BlockSpec((1, MVB, 1), lambda i: (i, 0, 0)),
        ],
        out_shape=[
            jax.ShapeDtypeStruct((NMVB, MVB, 1), jnp.float32),
            jax.ShapeDtypeStruct((NMVB, MVB, 1), jnp.float32),
        ],
    )(ns3, aggp4, wst, wrel)


def _finish_body(s_ref, r_ref, ps_ref, out_ref):
    def colsoft(x):
        ex = jnp.exp(x - jnp.max(x))
        return ex / jnp.sum(ex)

    gate = ps_ref[0][0:1, P - 1:P]
    out_ref[0] = gate * colsoft(r_ref[0]) + (1.0 - gate) * colsoft(s_ref[0])


def _finish_call(s3, r3, ps3):
    return pl.pallas_call(
        _finish_body,
        grid=(B,),
        in_specs=[
            pl.BlockSpec((1, NPG, 1), lambda g: (g, 0, 0)),
            pl.BlockSpec((1, NPG, 1), lambda g: (g, 0, 0)),
            pl.BlockSpec((1, 1, P), lambda g: (g, 0, 0)),
        ],
        out_specs=pl.BlockSpec((1, NPG, 1), lambda g: (g, 0, 0)),
        out_shape=jax.ShapeDtypeStruct((B, NPG, 1), jnp.float32),
    )(s3, r3, ps3)


def kernel(instruction, distribution, node_attrs, edge_attrs, node_indices,
           sparse_coo_indices, edge_batch_indices, edge_indices, prop_embeds,
           Ws_property, W_state, W_relation):
    src_pad = jnp.pad(edge_indices[0], (0, GPAD))
    dsrc = _sc_gather_call(distribution, src_pad)

    eg3 = edge_batch_indices.reshape(NEBLK, EBLK, 1)
    dsrc3 = dsrc.reshape(NEBLK, EBLK, 1)
    ea3 = edge_attrs.reshape(NEBLK, EBLK, H)
    msgs = _edge_call(eg3, dsrc3, ea3, instruction, Ws_property[P - 1].T)

    dst2 = edge_indices[1].reshape(NW * NCH, CHUNK)
    zeros_np = jnp.zeros((NPG, H), jnp.float32)
    aggp = _sc_scatter_call(msgs.reshape(E, H), dst2, zeros_np)

    na4 = node_attrs.reshape(B, NPG, P - 1, H)
    ns3, ps3 = _node_call(na4, instruction, prop_embeds,
                          jnp.swapaxes(Ws_property[:P - 1], 1, 2))
    prop_similarities = ps3.reshape(B, P)

    wst_big = jnp.concatenate([W_state[:, None], jnp.zeros((H, H - 1), jnp.float32)], axis=1)
    wrel_big = jnp.concatenate([W_relation[:, None], jnp.zeros((H, H - 1), jnp.float32)], axis=1)
    s3, r3 = _matvec_call(ns3.reshape(NMVB, MVB, H),
                          aggp.reshape(2, NMVB, MVB, H),
                          wst_big, wrel_big)

    out = _finish_call(s3.reshape(B, NPG, 1), r3.reshape(B, NPG, 1), ps3)
    return (out.reshape(N), prop_similarities)

# --- scband reference (transcript-rebuilt; emitter-appended) ---
"""Pipeline reference for scband-nsmcell-6227702579421 (READ-ONLY COPY).

The authoritative reference and input builder live on the scoring server;
editing this copy changes nothing except your own understanding.
"""

import jax, jax.numpy as jnp
import numpy as np

B = 16; P = 8; H = 128; N = 10000; E = 160000; NPG = N // B

def _seg_softmax(x, seg, num):
    m = jax.ops.segment_max(x, seg, num_segments=num)
    e = jnp.exp(x - m[seg])
    s = jax.ops.segment_sum(e, seg, num_segments=num)
    return e / s[seg]

def setup_inputs(seed: int = 0):
    key = jax.random.key(seed)
    ks = jax.random.split(key, 12)
    instruction = jax.random.normal(ks[0], (B, H), dtype=jnp.float32)
    node_indices = jnp.repeat(jnp.arange(B, dtype=jnp.int32), NPG)
    sparse_coo_indices = jnp.stack([node_indices, jnp.tile(jnp.arange(NPG, dtype=jnp.int32), B)])
    d = jax.random.uniform(ks[1], (N,), dtype=jnp.float32) + 1e-3
    distribution = d / jax.ops.segment_sum(d, node_indices, num_segments=B)[node_indices]
    node_attrs = jax.random.normal(ks[2], (N, P - 1, H), dtype=jnp.float32)
    edge_attrs = jax.random.normal(ks[3], (E, H), dtype=jnp.float32)
    eg = jax.random.randint(ks[4], (E,), 0, B, dtype=jnp.int32)
    src = eg * NPG + jax.random.randint(ks[5], (E,), 0, NPG, dtype=jnp.int32)
    dst = eg * NPG + jax.random.randint(ks[6], (E,), 0, NPG, dtype=jnp.int32)
    edge_indices = jnp.stack([src, dst])
    edge_batch_indices = eg
    prop_embeds = jax.random.normal(ks[7], (P, H), dtype=jnp.float32)
    Ws_property = jax.random.uniform(ks[8], (P, H, H), dtype=jnp.float32)
    W_state = jax.random.uniform(ks[9], (H,), dtype=jnp.float32)
    W_relation = jax.random.uniform(ks[10], (H,), dtype=jnp.float32)
    return {"instruction": instruction, "distribution": distribution, "node_attrs": node_attrs, "edge_attrs": edge_attrs, "node_indices": node_indices, "sparse_coo_indices": sparse_coo_indices, "edge_batch_indices": edge_batch_indices, "edge_indices": edge_indices, "prop_embeds": prop_embeds, "Ws_property": Ws_property, "W_state": W_state, "W_relation": W_relation}

def reference(instruction, distribution, node_attrs, edge_attrs, node_indices, sparse_coo_indices, edge_batch_indices, edge_indices, prop_embeds, Ws_property, W_state, W_relation):
    # prop similarities per graph instruction: [B, P]
    prop_similarities = jax.nn.softmax(instruction @ prop_embeds.T, axis=1)
    node_prop_sim = prop_similarities[node_indices, :-1]  # [N, P-1]
    # matmul_memcapped(Ws_property[:-1] [P-1,H,H], node_attrs[...,None] [N,P-1,H,1]) -> [N,P-1,H]
    Wx = jnp.einsum('phk,npk->nph', Ws_property[:-1], node_attrs)
    node_scores = jax.nn.elu(jnp.sum(node_prop_sim[:, :, None] * instruction[node_indices][:, None, :] * Wx, axis=1))  # [N, H]
    # Ws_property[-1] @ edge_attrs[..., None] -> [E, H]
    edge_scores = jax.nn.elu(instruction[edge_batch_indices] * (edge_attrs @ Ws_property[-1].T))
    seg = sparse_coo_indices[0]  # graph id per node, sorted -> coalesce preserves order
    # sparse softmax over dim=1 == per-graph segment softmax
    next_distribution_states = _seg_softmax(node_scores @ W_state, seg, B)
    msgs = distribution[edge_indices[0]][:, None] * edge_scores  # [E, H]
    agg = jnp.zeros((N, H), dtype=node_scores.dtype).at[edge_indices[1]].add(msgs)  # index_add_ over dst
    next_distribution_relations = _seg_softmax(agg @ W_relation, seg, B)
    gate = prop_similarities[node_indices, -1]
    next_distribution = gate * next_distribution_relations + (1.0 - gate) * next_distribution_states
    return (next_distribution, prop_similarities)

if __name__ == "__main__":
    import jax
    _d = setup_inputs()
    print(jax.jit(kernel)(*tuple(_d.values())))

</pallas_src>

<mosaic_0001>
#map = affine_map<(d0, d1) -> (0, 0)>
#map1 = affine_map<(d0, d1) -> (0, 0, 0)>
module attributes {stable_mosaic.version = 14 : i64} {
  func.func @_sc_scatter_body(%arg0: i32, %arg1: i32, %arg2: memref<160000x128xf32, #tpu.memory_space<hbm>>, %arg3: memref<1280x125xi32, #tpu.memory_space<hbm>>, %arg4: memref<625x128xf32, #tpu.memory_space<hbm>>, %arg5: memref<2x10000x128xf32, #tpu.memory_space<hbm>>, %arg6: memref<40x125xi32, #tpu.memory_space<vmem>>, %arg7: memref<125x128xf32, #tpu.memory_space<vmem>>, %arg8: memref<10000x128xf32, #tpu.memory_space<vmem_shared>>) attributes {dimension_semantics = [#tpu.dimension_semantics<core_parallel>, #tpu.dimension_semantics<subcore_parallel>], iteration_bounds = array<i64: 2, 16>, scalar_prefetch = 0 : i64, scratch_operands = 3 : i64, tpu.core_type = #tpu.core_type<sc_vector_subcore>, window_params = [{transform_indices = #map}, {transform_indices = #map}, {transform_indices = #map}, {transform_indices = #map1}]} {
    %mul3A = arith.constant 2 : i32
    %mul3A_0 = arith.muli %arg1, %mul3A : i32
    %add3A = arith.addi %mul3A_0, %arg0 : i32
    %mul3A_1 = arith.constant 40 : i32
    %mul3A_2 = arith.muli %add3A, %mul3A_1 : i32
    "tpu.region"() ({
      %run_scoped3A = tpu.sem_alloc : memref<!tpu.dma_semaphore, #tpu.memory_space<semaphore_mem>>
      %dma_start3A = arith.constant 0 : i32
      %dma_start3A_15 = tpu.memref_slice %arg3[%mul3A_2, %dma_start3A] : memref<1280x125xi32, #tpu.memory_space<hbm>> -> memref<40x125xi32, #tpu.memory_space<hbm>>
      %dma_start3A_16 = arith.constant 0 : i32
      %dma_start3A_17 = tpu.memref_slice %arg3[%mul3A_2, %dma_start3A_16] : memref<1280x125xi32, #tpu.memory_space<hbm>> -> memref<40x125xi32, #tpu.memory_space<hbm>>
      tpu.enqueue_dma source(%dma_start3A_17 : memref<40x125xi32, #tpu.memory_space<hbm>>) target(%arg6 : memref<40x125xi32, #tpu.memory_space<vmem>>) target_semaphore(%run_scoped3A : memref<!tpu.dma_semaphore, #tpu.memory_space<semaphore_mem>>)
      %dma_wait3A = arith.constant 0 : i32
      %dma_wait3A_18 = tpu.memref_slice %arg3[%mul3A_2, %dma_wait3A] : memref<1280x125xi32, #tpu.memory_space<hbm>> -> memref<40x125xi32, #tpu.memory_space<hbm>>
      %dma_wait3A_19 = arith.constant 0 : i32
      %dma_wait3A_20 = tpu.memref_slice %arg3[%mul3A_2, %dma_wait3A_19] : memref<1280x125xi32, #tpu.memory_space<hbm>> -> memref<40x125xi32, #tpu.memory_space<hbm>>
      tpu.wait_dma2 semaphore(%run_scoped3A : memref<!tpu.dma_semaphore, #tpu.memory_space<semaphore_mem>>) src(%dma_wait3A_20 : memref<40x125xi32, #tpu.memory_space<hbm>>) dst(%arg6 : memref<40x125xi32, #tpu.memory_space<vmem>>)
      tpu.yield
    }) : () -> ()
    %mul3A_3 = arith.constant 625 : i32
    %mul3A_4 = arith.muli %arg1, %mul3A_3 : i32
    "tpu.region"() ({
      %run_scoped3A = tpu.sem_alloc : memref<!tpu.dma_semaphore, #tpu.memory_space<semaphore_mem>>
      %dma_start3A = arith.constant 0 : i32
      %dma_start3A_15 = tpu.memref_slice %arg8[%mul3A_4, %dma_start3A] : memref<10000x128xf32, #tpu.memory_space<vmem_shared>> -> memref<625x128xf32, #tpu.memory_space<vmem_shared>>
      tpu.enqueue_dma source(%arg4 : memref<625x128xf32, #tpu.memory_space<hbm>>) target(%dma_start3A_15 : memref<625x128xf32, #tpu.memory_space<vmem_shared>>) target_semaphore(%run_scoped3A : memref<!tpu.dma_semaphore, #tpu.memory_space<semaphore_mem>>)
      %dma_wait3A = arith.constant 0 : i32
      %dma_wait3A_16 = tpu.memref_slice %arg8[%mul3A_4, %dma_wait3A] : memref<10000x128xf32, #tpu.memory_space<vmem_shared>> -> memref<625x128xf32, #tpu.memory_space<vmem_shared>>
      tpu.wait_dma2 semaphore(%run_scoped3A : memref<!tpu.dma_semaphore, #tpu.memory_space<semaphore_mem>>) src(%arg4 : memref<625x128xf32, #tpu.memory_space<hbm>>) dst(%dma_wait3A_16 : memref<625x128xf32, #tpu.memory_space<vmem_shared>>)
      tpu.yield
    }) : () -> ()
    %barrier3A = arith.constant 0 : index
    tpu.barrier barrier_id(%barrier3A)
    %scan3A = arith.constant 0 : i32
    %scan3A_5 = arith.constant 0 : i32
    %scan3A_6 = arith.constant 40 : i32
    %scan3A_7 = arith.addi %scan3A_5, %scan3A_6 : i32
    %scan3A_8 = arith.constant 1 : i32
    scf.for %scan3A_15 = %scan3A_5 to %scan3A_7 step %scan3A_8  : i32 {
      %mul3A_16 = arith.constant 5000 : i32
      %mul3A_17 = arith.muli %add3A, %mul3A_16 : i32
      %mul3A_18 = arith.constant 125 : i32
      %mul3A_19 = arith.muli %scan3A_15, %mul3A_18 : i32
      %add3A_20 = arith.addi %mul3A_17, %mul3A_19 : i32
      "tpu.region"() ({
        %run_scoped3A = tpu.sem_alloc : memref<!tpu.dma_semaphore, #tpu.memory_space<semaphore_mem>>
        %dma_start3A = arith.constant 0 : i32
        %dma_start3A_21 = tpu.memref_slice %arg2[%add3A_20, %dma_start3A] : memref<160000x128xf32, #tpu.memory_space<hbm>> -> memref<125x128xf32, #tpu.memory_space<hbm>>
        %dma_start3A_22 = arith.constant 0 : i32
        %dma_start3A_23 = tpu.memref_slice %arg2[%add3A_20, %dma_start3A_22] : memref<160000x128xf32, #tpu.memory_space<hbm>> -> memref<125x128xf32, #tpu.memory_space<hbm>>
        tpu.enqueue_dma source(%dma_start3A_23 : memref<125x128xf32, #tpu.memory_space<hbm>>) target(%arg7 : memref<125x128xf32, #tpu.memory_space<vmem>>) target_semaphore(%run_scoped3A : memref<!tpu.dma_semaphore, #tpu.memory_space<semaphore_mem>>)
        %dma_wait3A = arith.constant 0 : i32
        %dma_wait3A_24 = tpu.memref_slice %arg2[%add3A_20, %dma_wait3A] : memref<160000x128xf32, #tpu.memory_space<hbm>> -> memref<125x128xf32, #tpu.memory_space<hbm>>
        %dma_wait3A_25 = arith.constant 0 : i32
        %dma_wait3A_26 = tpu.memref_slice %arg2[%add3A_20, %dma_wait3A_25] : memref<160000x128xf32, #tpu.memory_space<hbm>> -> memref<125x128xf32, #tpu.memory_space<hbm>>
        tpu.wait_dma2 semaphore(%run_scoped3A : memref<!tpu.dma_semaphore, #tpu.memory_space<semaphore_mem>>) src(%dma_wait3A_26 : memref<125x128xf32, #tpu.memory_space<hbm>>) dst(%arg7 : memref<125x128xf32, #tpu.memory_space<vmem>>)
        tpu.yield
      }) : () -> ()
      "tpu.region"() ({
        %run_scoped3A = tpu.sem_alloc : memref<!tpu.dma_semaphore, #tpu.memory_space<semaphore_mem>>
        %dma_start3A = arith.constant 0 : i32
        %dma_start3A_21 = tpu.memref_slice %arg6[%scan3A_15, %dma_start3A] : memref<40x125xi32, #tpu.memory_space<vmem>> -> memref<1x125xi32, #tpu.memory_space<vmem>>
        %dma_start3A_22 = tpu.memref_squeeze %dma_start3A_21 : memref<1x125xi32, #tpu.memory_space<vmem>> -> memref<125xi32, #tpu.memory_space<vmem>>
        %dma_start3A_23 = arith.constant 0 : i32
        %dma_start3A_24 = arith.constant 0 : i32
        %dma_start3A_25 = tpu.memref_slice %arg8[%dma_start3A_23, %dma_start3A_24] : memref<10000x128xf32, #tpu.memory_space<vmem_shared>> -> memref<10000x128xf32, #tpu.memory_space<vmem_shared>>
        tpu.enqueue_indirect_dma source(%arg7 : memref<125x128xf32, #tpu.memory_space<vmem>>) target(%dma_start3A_25 : memref<10000x128xf32, #tpu.memory_space<vmem_shared>>) offsets(%dma_start3A_22 : memref<125xi32, #tpu.memory_space<vmem>>) semaphore(%run_scoped3A : memref<!tpu.dma_semaphore, #tpu.memory_space<semaphore_mem>>) {add = true}
        %dma_wait3A = arith.constant 0 : i32
        %dma_wait3A_26 = tpu.memref_slice %arg6[%scan3A_15, %dma_wait3A] : memref<40x125xi32, #tpu.memory_space<vmem>> -> memref<1x125xi32, #tpu.memory_space<vmem>>
        %dma_wait3A_27 = tpu.memref_squeeze %dma_wait3A_26 : memref<1x125xi32, #tpu.memory_space<vmem>> -> memref<125xi32, #tpu.memory_space<vmem>>
        %dma_wait3A_28 = arith.constant 0 : i32
        %dma_wait3A_29 = arith.constant 0 : i32
        %dma_wait3A_30 = tpu.memref_slice %arg8[%dma_wait3A_28, %dma_wait3A_29] : memref<10000x128xf32, #tpu.memory_space<vmem_shared>> -> memref<10000x128xf32, #tpu.memory_space<vmem_shared>>
        tpu.wait_indirect_dma semaphore(%run_scoped3A : memref<!tpu.dma_semaphore, #tpu.memory_space<semaphore_mem>>) src(%arg7 : memref<125x128xf32, #tpu.memory_space<vmem>>) dst(%dma_wait3A_30 : memref<10000x128xf32, #tpu.memory_space<vmem_shared>>)
        tpu.yield
      }) : () -> ()
    }
    %scan3A_9 = arith.constant 40 : i32
    %barrier3A_10 = arith.constant 0 : index
    tpu.barrier barrier_id(%barrier3A_10)
    %mul3A_11 = arith.constant 625 : i32
    %mul3A_12 = arith.muli %arg1, %mul3A_11 : i32
    %mul3A_13 = arith.constant 625 : i32
    %mul3A_14 = arith.muli %arg1, %mul3A_13 : i32
    "tpu.region"() ({
      %run_scoped3A = tpu.sem_alloc : memref<!tpu.dma_semaphore, #tpu.memory_space<semaphore_mem>>
      %dma_start3A = arith.constant 0 : i32
      %dma_start3A_15 = tpu.memref_slice %arg5[%arg0, %mul3A_14, %dma_start3A] : memref<2x10000x128xf32, #tpu.memory_space<hbm>> -> memref<1x625x128xf32, #tpu.memory_space<hbm>>
      %dma_start3A_16 = tpu.memref_squeeze %dma_start3A_15 : memref<1x625x128xf32, #tpu.memory_space<hbm>> -> memref<625x128xf32, #tpu.memory_space<hbm>>
      %dma_start3A_17 = arith.constant 0 : i32
      %dma_start3A_18 = tpu.memref_slice %arg8[%mul3A_12, %dma_start3A_17] : memref<10000x128xf32, #tpu.memory_space<vmem_shared>> -> memref<625x128xf32, #tpu.memory_space<vmem_shared>>
      tpu.enqueue_dma source(%dma_start3A_18 : memref<625x128xf32, #tpu.memory_space<vmem_shared>>) target(%dma_start3A_16 : memref<625x128xf32, #tpu.memory_space<hbm>>) target_semaphore(%run_scoped3A : memref<!tpu.dma_semaphore, #tpu.memory_space<semaphore_mem>>)
      %dma_wait3A = arith.constant 0 : i32
      %dma_wait3A_19 = tpu.memref_slice %arg5[%arg0, %mul3A_14, %dma_wait3A] : memref<2x10000x128xf32, #tpu.memory_space<hbm>> -> memref<1x625x128xf32, #tpu.memory_space<hbm>>
      %dma_wait3A_20 = tpu.memref_squeeze %dma_wait3A_19 : memref<1x625x128xf32, #tpu.memory_space<hbm>> -> memref<625x128xf32, #tpu.memory_space<hbm>>
      %dma_wait3A_21 = arith.constant 0 : i32
      %dma_wait3A_22 = tpu.memref_slice %arg8[%mul3A_12, %dma_wait3A_21] : memref<10000x128xf32, #tpu.memory_space<vmem_shared>> -> memref<625x128xf32, #tpu.memory_space<vmem_shared>>
      tpu.wait_dma2 semaphore(%run_scoped3A : memref<!tpu.dma_semaphore, #tpu.memory_space<semaphore_mem>>) src(%dma_wait3A_22 : memref<625x128xf32, #tpu.memory_space<vmem_shared>>) dst(%dma_wait3A_20 : memref<625x128xf32, #tpu.memory_space<hbm>>)
      tpu.yield
    }) : () -> ()
    return
  }
}

#map = affine_map<(d0, d1) -> (0)>
module attributes {stable_mosaic.version = 14 : i64} {
  func.func @_sc_gather_body(%arg0: i32, %arg1: i32, %arg2: memref<10000xf32, #tpu.memory_space<hbm>>, %arg3: memref<160016xi32, #tpu.memory_space<hbm>>, %arg4: memref<160000xf32, #tpu.memory_space<hbm>>, %arg5: memref<10000xf32, #tpu.memory_space<vmem>>, %arg6: memref<5016xi32, #tpu.memory_space<vmem>>, %arg7: memref<5016xf32, #tpu.memory_space<vmem>>) attributes {dimension_semantics = [#tpu.dimension_semantics<core_parallel>, #tpu.dimension_semantics<subcore_parallel>], iteration_bounds = array<i64: 2, 16>, scalar_prefetch = 0 : i64, scratch_operands = 3 : i64, tpu.core_type = #tpu.core_type<sc_vector_subcore>, window_params = [{transform_indices = #map}, {transform_indices = #map}, {transform_indices = #map}]} {
    %mul3A = arith.constant 2 : i32
    %mul3A_0 = arith.muli %arg1, %mul3A : i32
    %add3A = arith.addi %mul3A_0, %arg0 : i32
    %mul3A_1 = arith.constant 5000 : i32
    %mul3A_2 = arith.muli %add3A, %mul3A_1 : i32
    "tpu.region"() ({
      %run_scoped3A = tpu.sem_alloc : memref<!tpu.dma_semaphore, #tpu.memory_space<semaphore_mem>>
      tpu.enqueue_dma source(%arg2 : memref<10000xf32, #tpu.memory_space<hbm>>) target(%arg5 : memref<10000xf32, #tpu.memory_space<vmem>>) target_semaphore(%run_scoped3A : memref<!tpu.dma_semaphore, #tpu.memory_space<semaphore_mem>>)
      tpu.wait_dma2 semaphore(%run_scoped3A : memref<!tpu.dma_semaphore, #tpu.memory_space<semaphore_mem>>) src(%arg2 : memref<10000xf32, #tpu.memory_space<hbm>>) dst(%arg5 : memref<10000xf32, #tpu.memory_space<vmem>>)
      tpu.yield
    }) : () -> ()
    "tpu.region"() ({
      %run_scoped3A = tpu.sem_alloc : memref<!tpu.dma_semaphore, #tpu.memory_space<semaphore_mem>>
      %dma_start3A = tpu.memref_slice %arg3[%mul3A_2] : memref<160016xi32, #tpu.memory_space<hbm>> -> memref<5016xi32, #tpu.memory_space<hbm>>
      %dma_start3A_8 = tpu.memref_slice %arg3[%mul3A_2] : memref<160016xi32, #tpu.memory_space<hbm>> -> memref<5016xi32, #tpu.memory_space<hbm>>
      tpu.enqueue_dma source(%dma_start3A_8 : memref<5016xi32, #tpu.memory_space<hbm>>) target(%arg6 : memref<5016xi32, #tpu.memory_space<vmem>>) target_semaphore(%run_scoped3A : memref<!tpu.dma_semaphore, #tpu.memory_space<semaphore_mem>>)
      %dma_wait3A = tpu.memref_slice %arg3[%mul3A_2] : memref<160016xi32, #tpu.memory_space<hbm>> -> memref<5016xi32, #tpu.memory_space<hbm>>
      %dma_wait3A_9 = tpu.memref_slice %arg3[%mul3A_2] : memref<160016xi32, #tpu.memory_space<hbm>> -> memref<5016xi32, #tpu.memory_space<hbm>>
      tpu.wait_dma2 semaphore(%run_scoped3A : memref<!tpu.dma_semaphore, #tpu.memory_space<semaphore_mem>>) src(%dma_wait3A_9 : memref<5016xi32, #tpu.memory_space<hbm>>) dst(%arg6 : memref<5016xi32, #tpu.memory_space<vmem>>)
      tpu.yield
    }) : () -> ()
    %scan3A = arith.constant 0 : i32
    %scan3A_3 = arith.constant 0 : i32
    %scan3A_4 = arith.constant 313 : i32
    %scan3A_5 = arith.addi %scan3A_3, %scan3A_4 : i32
    %scan3A_6 = arith.constant 1 : i32
    scf.for %scan3A_8 = %scan3A_3 to %scan3A_5 step %scan3A_6  : i32 {
      %mul3A_9 = arith.constant 16 : i32
      %mul3A_10 = arith.muli %scan3A_8, %mul3A_9 : i32
      %get3A = arith.index_cast %mul3A_10 : i32 to index
      %get3A_11 = tpu.vector_load %arg6[%get3A] {strides = array<i32>} : memref<5016xi32, #tpu.memory_space<vmem>>, vector<16xi32>,
      %gather3A = tpu.vector_load_idx %arg5[%get3A_11] : memref<10000xf32, #tpu.memory_space<vmem>>[vector<16xi32>], vector<16xf32>,
      %mul3A_12 = arith.constant 16 : i32
      %mul3A_13 = arith.muli %scan3A_8, %mul3A_12 : i32
      %swap3A = arith.index_cast %mul3A_13 : i32 to index
      %swap3A_14 = tpu.vector_load %arg7[%swap3A] {strides = array<i32>} : memref<5016xf32, #tpu.memory_space<vmem>>, vector<16xf32>,
      tpu.vector_store %arg7[%swap3A], %gather3A {strides = array<i32>} : memref<5016xf32, #tpu.memory_space<vmem>>, vector<16xf32>,
    }
    %scan3A_7 = arith.constant 313 : i32
    "tpu.region"() ({
      %run_scoped3A = tpu.sem_alloc : memref<!tpu.dma_semaphore, #tpu.memory_space<semaphore_mem>>
      %dma_start3A = arith.constant 0 : i32
      %dma_start3A_8 = tpu.memref_slice %arg7[%dma_start3A] : memref<5016xf32, #tpu.memory_space<vmem>> -> memref<5000xf32, #tpu.memory_space<vmem>>
      %dma_start3A_9 = tpu.memref_slice %arg4[%mul3A_2] : memref<160000xf32, #tpu.memory_space<hbm>> -> memref<5000xf32, #tpu.memory_space<hbm>>
      %dma_start3A_10 = tpu.memref_slice %arg4[%mul3A_2] : memref<160000xf32, #tpu.memory_space<hbm>> -> memref<5000xf32, #tpu.memory_space<hbm>>
      %dma_start3A_11 = arith.constant 0 : i32
      %dma_start3A_12 = tpu.memref_slice %arg7[%dma_start3A_11] : memref<5016xf32, #tpu.memory_space<vmem>> -> memref<5000xf32, #tpu.memory_space<vmem>>
      tpu.enqueue_dma source(%dma_start3A_12 : memref<5000xf32, #tpu.memory_space<vmem>>) target(%dma_start3A_10 : memref<5000xf32, #tpu.memory_space<hbm>>) target_semaphore(%run_scoped3A : memref<!tpu.dma_semaphore, #tpu.memory_space<semaphore_mem>>)
      %dma_wait3A = arith.constant 0 : i32
      %dma_wait3A_13 = tpu.memref_slice %arg7[%dma_wait3A] : memref<5016xf32, #tpu.memory_space<vmem>> -> memref<5000xf32, #tpu.memory_space<vmem>>
      %dma_wait3A_14 = tpu.memref_slice %arg4[%mul3A_2] : memref<160000xf32, #tpu.memory_space<hbm>> -> memref<5000xf32, #tpu.memory_space<hbm>>
      %dma_wait3A_15 = tpu.memref_slice %arg4[%mul3A_2] : memref<160000xf32, #tpu.memory_space<hbm>> -> memref<5000xf32, #tpu.memory_space<hbm>>
      %dma_wait3A_16 = arith.constant 0 : i32
      %dma_wait3A_17 = tpu.memref_slice %arg7[%dma_wait3A_16] : memref<5016xf32, #tpu.memory_space<vmem>> -> memref<5000xf32, #tpu.memory_space<vmem>>
      tpu.wait_dma2 semaphore(%run_scoped3A : memref<!tpu.dma_semaphore, #tpu.memory_space<semaphore_mem>>) src(%dma_wait3A_17 : memref<5000xf32, #tpu.memory_space<vmem>>) dst(%dma_wait3A_15 : memref<5000xf32, #tpu.memory_space<hbm>>)
      tpu.yield
    }) : () -> ()
    return
  }
}

module attributes {stable_mosaic.version = 14 : i64} {
  func.func @_edge_body(%arg0: i32, %arg1: memref<1x2000x1xi32, #tpu.memory_space<vmem>>, %arg2: memref<1x2000x1xf32, #tpu.memory_space<vmem>>, %arg3: memref<1x2000x128xf32, #tpu.memory_space<vmem>>, %arg4: memref<16x128xf32, #tpu.memory_space<vmem>>, %arg5: memref<128x128xf32, #tpu.memory_space<vmem>>, %arg6: memref<1x2000x128xf32, #tpu.memory_space<vmem>>) attributes {dimension_semantics = [#tpu.dimension_semantics<arbitrary>], iteration_bounds = array<i64: 80>, scalar_prefetch = 0 : i64, scratch_operands = 0 : i64, tpu.core_type = #tpu.core_type<tc>, window_params = [{transform_indices = @transform_0, window_bounds = array<i64: 1, 2000, 1>}, {transform_indices = @transform_1, window_bounds = array<i64: 1, 2000, 1>}, {transform_indices = @transform_2, window_bounds = array<i64: 1, 2000, 128>}, {pipeline_mode = #tpu.pipeline_mode<synchronous>, transform_indices = @transform_3, window_bounds = array<i64: 16, 128>}, {pipeline_mode = #tpu.pipeline_mode<synchronous>, transform_indices = @transform_4, window_bounds = array<i64: 128, 128>}, {transform_indices = @transform_5, window_bounds = array<i64: 1, 2000, 128>}]} {
    %get3A = arith.constant 0 : index
    %get3A_0 = arith.constant 0 : index
    %get3A_1 = arith.constant 0 : index
    %get3A_2 = vector.load %arg1[%get3A, %get3A_0, %get3A_1] : memref<1x2000x1xi32, #tpu.memory_space<vmem>>, vector<1x2000x1xi32>
    %get3A_3 = vector.shape_cast %get3A_2 : vector<1x2000x1xi32> to vector<2000x1xi32>
    %iota3A = tpu.iota {dimensions = array<i32: 1>} : vector<1x16xi32>
    %eq3A = vector.broadcast %get3A_3 : vector<2000x1xi32> to vector<2000x16xi32>
    %eq3A_4 = vector.broadcast %iota3A : vector<1x16xi32> to vector<2000x16xi32>
    %eq3A_5 = arith.cmpi eq, %eq3A, %eq3A_4 : vector<2000x16xi32>
    %convert_element_type3A = arith.extui %eq3A_5 : vector<2000x16xi1> to vector<2000x16xi32>
    %convert_element_type3A_6 = arith.sitofp %convert_element_type3A : vector<2000x16xi32> to vector<2000x16xf32>
    %get3A_7 = arith.constant 0 : index
    %get3A_8 = arith.constant 0 : index
    %get3A_9 = vector.load %arg4[%get3A_7, %get3A_8] : memref<16x128xf32, #tpu.memory_space<vmem>>, vector<16x128xf32>
    %dot_general3A = arith.constant dense<0.000000e+00> : vector<2000x128xf32>
    %dot_general3A_10 = tpu.matmul %convert_element_type3A_6, %get3A_9, %dot_general3A {dimension_numbers = #tpu.dot_dimension_numbers<[1], [0], [0], [1], [0, 0, 1, 1], [], []>, transpose_lhs_hint = false} : vector<2000x16xf32>, vector<16x128xf32>, vector<2000x128xf32> -> vector<2000x128xf32>
    %get3A_11 = arith.constant 0 : index
    %get3A_12 = arith.constant 0 : index
    %get3A_13 = arith.constant 0 : index
    %get3A_14 = vector.load %arg3[%get3A_11, %get3A_12, %get3A_13] : memref<1x2000x128xf32, #tpu.memory_space<vmem>>, vector<1x2000x128xf32>
    %get3A_15 = vector.shape_cast %get3A_14 : vector<1x2000x128xf32> to vector<2000x128xf32>
    %get3A_16 = arith.constant 0 : index
    %get3A_17 = arith.constant 0 : index
    %get3A_18 = vector.load %arg5[%get3A_16, %get3A_17] : memref<128x128xf32, #tpu.memory_space<vmem>>, vector<128x128xf32>
    %dot_general3A_19 = arith.constant dense<0.000000e+00> : vector<2000x128xf32>
    %dot_general3A_20 = tpu.matmul %get3A_15, %get3A_18, %dot_general3A_19 {dimension_numbers = #tpu.dot_dimension_numbers<[1], [0], [0], [1], [0, 0, 1, 1], [], []>, transpose_lhs_hint = false} : vector<2000x128xf32>, vector<128x128xf32>, vector<2000x128xf32> -> vector<2000x128xf32>
    %get3A_21 = arith.constant 0 : index
    %get3A_22 = arith.constant 0 : index
    %get3A_23 = arith.constant 0 : index
    %get3A_24 = vector.load %arg2[%get3A_21, %get3A_22, %get3A_23] : memref<1x2000x1xf32, #tpu.memory_space<vmem>>, vector<1x2000x1xf32>
    %get3A_25 = vector.shape_cast %get3A_24 : vector<1x2000x1xf32> to vector<2000x1xf32>
    %mul3A = arith.mulf %dot_general3A_10, %dot_general3A_20 : vector<2000x128xf32>
    %gt3A = arith.constant 0.000000e+00 : f32
    %gt3A_26 = vector.broadcast %gt3A : f32 to vector<2000x128xf32>
    %gt3A_27 = arith.cmpf ogt, %mul3A, %gt3A_26 : vector<2000x128xf32>
    %min3A = arith.constant 0.000000e+00 : f32
    %min3A_28 = vector.broadcast %min3A : f32 to vector<2000x128xf32>
    %min3A_29 = arith.minimumf %mul3A, %min3A_28 : vector<2000x128xf32>
    %exp3A = math.exp %min3A_29 : vector<2000x128xf32>
    %sub3A = arith.constant 1.000000e+00 : f32
    %sub3A_30 = vector.broadcast %sub3A : f32 to vector<2000x128xf32>
    %sub3A_31 = arith.subf %exp3A, %sub3A_30 : vector<2000x128xf32>
    %select_n3A = arith.select %gt3A_27, %mul3A, %sub3A_31 : vector<2000x128xi1>, vector<2000x128xf32>
    %mul3A_32 = vector.broadcast %get3A_25 : vector<2000x1xf32> to vector<2000x128xf32>
    %mul3A_33 = arith.mulf %mul3A_32, %select_n3A : vector<2000x128xf32>
    %swap3A = arith.constant 0 : index
    %swap3A_34 = arith.constant 0 : index
    %swap3A_35 = arith.constant 0 : index
    %swap3A_36 = vector.load %arg6[%swap3A, %swap3A_34, %swap3A_35] : memref<1x2000x128xf32, #tpu.memory_space<vmem>>, vector<1x2000x128xf32>
    %swap3A_37 = vector.shape_cast %swap3A_36 : vector<1x2000x128xf32> to vector<2000x128xf32>
    %swap3A_38 = vector.shape_cast %mul3A_33 : vector<2000x128xf32> to vector<1x2000x128xf32>
    tpu.vector_store %arg6[%swap3A, %swap3A_34, %swap3A_35], %swap3A_38 {strides = array<i32>} : memref<1x2000x128xf32, #tpu.memory_space<vmem>>, vector<1x2000x128xf32>,
    return
  }
  func.func @transform_0(%arg0: i32) -> (i32, i32, i32) {
    %c0_i32 = arith.constant 0 : i32
    %c0_i32_0 = arith.constant 0 : i32
    %c0_i32_1 = arith.constant 0 : i32
    return %arg0, %c0_i32, %c0_i32_0 : i32, i32, i32
  }
  func.func @transform_1(%arg0: i32) -> (i32, i32, i32) {
    %c0_i32 = arith.constant 0 : i32
    %c0_i32_0 = arith.constant 0 : i32
    %c0_i32_1 = arith.constant 0 : i32
    return %arg0, %c0_i32, %c0_i32_0 : i32, i32, i32
  }
  func.func @transform_2(%arg0: i32) -> (i32, i32, i32) {
    %c0_i32 = arith.constant 0 : i32
    %c0_i32_0 = arith.constant 0 : i32
    %c0_i32_1 = arith.constant 0 : i32
    return %arg0, %c0_i32, %c0_i32_0 : i32, i32, i32
  }
  func.func @transform_3(%arg0: i32) -> (i32, i32) {
    %c0_i32 = arith.constant 0 : i32
    %c0_i32_0 = arith.constant 0 : i32
    %c0_i32_1 = arith.constant 0 : i32
    return %c0_i32, %c0_i32_0 : i32, i32
  }
  func.func @transform_4(%arg0: i32) -> (i32, i32) {
    %c0_i32 = arith.constant 0 : i32
    %c0_i32_0 = arith.constant 0 : i32
    %c0_i32_1 = arith.constant 0 : i32
    return %c0_i32, %c0_i32_0 : i32, i32
  }
  func.func @transform_5(%arg0: i32) -> (i32, i32, i32) {
    %c0_i32 = arith.constant 0 : i32
    %c0_i32_0 = arith.constant 0 : i32
    %c0_i32_1 = arith.constant 0 : i32
    return %arg0, %c0_i32, %c0_i32_0 : i32, i32, i32
  }
}

module attributes {stable_mosaic.version = 14 : i64} {
  func.func @_node_body(%arg0: i32, %arg1: memref<1x625x7x128xf32, #tpu.memory_space<vmem>>, %arg2: memref<16x128xf32, #tpu.memory_space<vmem>>, %arg3: memref<8x128xf32, #tpu.memory_space<vmem>>, %arg4: memref<7x128x128xf32, #tpu.memory_space<vmem>>, %arg5: memref<1x625x128xf32, #tpu.memory_space<vmem>>, %arg6: memref<1x1x8xf32, #tpu.memory_space<vmem>>) attributes {dimension_semantics = [#tpu.dimension_semantics<arbitrary>], iteration_bounds = array<i64: 16>, scalar_prefetch = 0 : i64, scratch_operands = 0 : i64, tpu.core_type = #tpu.core_type<tc>, window_params = [{transform_indices = @transform_0, window_bounds = array<i64: 1, 625, 7, 128>}, {pipeline_mode = #tpu.pipeline_mode<synchronous>, transform_indices = @transform_1, window_bounds = array<i64: 16, 128>}, {pipeline_mode = #tpu.pipeline_mode<synchronous>, transform_indices = @transform_2, window_bounds = array<i64: 8, 128>}, {pipeline_mode = #tpu.pipeline_mode<synchronous>, transform_indices = @transform_3, window_bounds = array<i64: 7, 128, 128>}, {transform_indices = @transform_4, window_bounds = array<i64: 1, 625, 128>}, {transform_indices = @transform_5, window_bounds = array<i64: 1, 1, 8>}]} {
    %get3A = arith.index_cast %arg0 : i32 to index
    %get3A_0 = arith.constant 0 : index
    %get3A_1 = vector.load %arg2[%get3A, %get3A_0] : memref<16x128xf32, #tpu.memory_space<vmem>>, vector<1x128xf32>
    %get3A_2 = arith.constant 0 : index
    %get3A_3 = arith.constant 0 : index
    %get3A_4 = vector.load %arg3[%get3A_2, %get3A_3] : memref<8x128xf32, #tpu.memory_space<vmem>>, vector<8x128xf32>
    %dot_general3A = arith.constant dense<0.000000e+00> : vector<1x8xf32>
    %dot_general3A_5 = tpu.matmul %get3A_1, %get3A_4, %dot_general3A {dimension_numbers = #tpu.dot_dimension_numbers<[1], [1], [0], [0], [0, 0, 1, 0], [], []>, transpose_lhs_hint = false} : vector<1x128xf32>, vector<8x128xf32>, vector<1x8xf32> -> vector<1x8xf32>
    %reduce_max3A = arith.constant dense<0xFF800000> : vector<1xf32>
    %reduce_max3A_6 = vector.multi_reduction <maximumf>, %dot_general3A_5, %reduce_max3A [1] : vector<1x8xf32> to vector<1xf32>
    %broadcast_in_dim3A = vector.shape_cast %reduce_max3A_6 : vector<1xf32> to vector<1x1xf32>
    %sub3A = vector.broadcast %broadcast_in_dim3A : vector<1x1xf32> to vector<1x8xf32>
    %sub3A_7 = arith.subf %dot_general3A_5, %sub3A : vector<1x8xf32>
    %exp3A = math.exp %sub3A_7 : vector<1x8xf32>
    %reduce_sum3A = arith.constant dense<0.000000e+00> : vector<1xf32>
    %reduce_sum3A_8 = vector.multi_reduction <add>, %exp3A, %reduce_sum3A [1] : vector<1x8xf32> to vector<1xf32>
    %broadcast_in_dim3A_9 = vector.shape_cast %reduce_sum3A_8 : vector<1xf32> to vector<1x1xf32>
    %div3A = vector.broadcast %broadcast_in_dim3A_9 : vector<1x1xf32> to vector<1x8xf32>
    %div3A_10 = arith.divf %exp3A, %div3A : vector<1x8xf32>
    %swap3A = arith.constant 0 : index
    %swap3A_11 = arith.constant 0 : index
    %swap3A_12 = arith.constant 0 : index
    %swap3A_13 = vector.load %arg6[%swap3A, %swap3A_11, %swap3A_12] : memref<1x1x8xf32, #tpu.memory_space<vmem>>, vector<1x1x8xf32>
    %swap3A_14 = vector.shape_cast %swap3A_13 : vector<1x1x8xf32> to vector<1x8xf32>
    %swap3A_15 = vector.shape_cast %div3A_10 : vector<1x8xf32> to vector<1x1x8xf32>
    tpu.vector_store %arg6[%swap3A, %swap3A_11, %swap3A_12], %swap3A_15 {strides = array<i32>} : memref<1x1x8xf32, #tpu.memory_space<vmem>>, vector<1x1x8xf32>,
    %broadcast_in_dim3A_16 = arith.constant 0.000000e+00 : f32
    %broadcast_in_dim3A_17 = vector.broadcast %broadcast_in_dim3A_16 : f32 to vector<625x128xf32>
    %get3A_18 = arith.constant 0 : index
    %get3A_19 = arith.constant 0 : index
    %get3A_20 = arith.constant 0 : index
    %get3A_21 = arith.constant 0 : index
    %get3A_22 = vector.load %arg1[%get3A_18, %get3A_19, %get3A_20, %get3A_21] : memref<1x625x7x128xf32, #tpu.memory_space<vmem>>, vector<1x625x1x128xf32>
    %get3A_23 = vector.shape_cast %get3A_22 : vector<1x625x1x128xf32> to vector<625x128xf32>
    %get3A_24 = arith.constant 0 : index
    %get3A_25 = arith.constant 0 : index
    %get3A_26 = arith.constant 0 : index
    %get3A_27 = vector.load %arg4[%get3A_24, %get3A_25, %get3A_26] : memref<7x128x128xf32, #tpu.memory_space<vmem>>, vector<1x128x128xf32>
    %get3A_28 = vector.shape_cast %get3A_27 : vector<1x128x128xf32> to vector<128x128xf32>
    %dot_general3A_29 = arith.constant dense<0.000000e+00> : vector<625x128xf32>
    %dot_general3A_30 = tpu.matmul %get3A_23, %get3A_28, %dot_general3A_29 {dimension_numbers = #tpu.dot_dimension_numbers<[1], [0], [0], [1], [0, 0, 1, 1], [], []>, transpose_lhs_hint = false} : vector<625x128xf32>, vector<128x128xf32>, vector<625x128xf32> -> vector<625x128xf32>
    %slice3A = vector.extract_strided_slice %div3A_10 {offsets = [0, 0], sizes = [1, 1], strides = [1, 1]} : vector<1x8xf32> to vector<1x1xf32>
    %mul3A = vector.broadcast %slice3A : vector<1x1xf32> to vector<1x128xf32>
    %mul3A_31 = arith.mulf %mul3A, %get3A_1 : vector<1x128xf32>
    %mul3A_32 = vector.broadcast %mul3A_31 : vector<1x128xf32> to vector<625x128xf32>
    %mul3A_33 = arith.mulf %mul3A_32, %dot_general3A_30 : vector<625x128xf32>
    %add3A = arith.addf %broadcast_in_dim3A_17, %mul3A_33 : vector<625x128xf32>
    %get3A_34 = arith.constant 0 : index
    %get3A_35 = arith.constant 0 : index
    %get3A_36 = arith.constant 1 : index
    %get3A_37 = arith.constant 0 : index
    %get3A_38 = vector.load %arg1[%get3A_34, %get3A_35, %get3A_36, %get3A_37] : memref<1x625x7x128xf32, #tpu.memory_space<vmem>>, vector<1x625x1x128xf32>
    %get3A_39 = vector.shape_cast %get3A_38 : vector<1x625x1x128xf32> to vector<625x128xf32>
    %get3A_40 = arith.constant 1 : index
    %get3A_41 = arith.constant 0 : index
    %get3A_42 = arith.constant 0 : index
    %get3A_43 = vector.load %arg4[%get3A_40, %get3A_41, %get3A_42] : memref<7x128x128xf32, #tpu.memory_space<vmem>>, vector<1x128x128xf32>
    %get3A_44 = vector.shape_cast %get3A_43 : vector<1x128x128xf32> to vector<128x128xf32>
    %dot_general3A_45 = arith.constant dense<0.000000e+00> : vector<625x128xf32>
    %dot_general3A_46 = tpu.matmul %get3A_39, %get3A_44, %dot_general3A_45 {dimension_numbers = #tpu.dot_dimension_numbers<[1], [0], [0], [1], [0, 0, 1, 1], [], []>, transpose_lhs_hint = false} : vector<625x128xf32>, vector<128x128xf32>, vector<625x128xf32> -> vector<625x128xf32>
    %slice3A_47 = vector.extract_strided_slice %div3A_10 {offsets = [0, 1], sizes = [1, 1], strides = [1, 1]} : vector<1x8xf32> to vector<1x1xf32>
    %mul3A_48 = vector.broadcast %slice3A_47 : vector<1x1xf32> to vector<1x128xf32>
    %mul3A_49 = arith.mulf %mul3A_48, %get3A_1 : vector<1x128xf32>
    %mul3A_50 = vector.broadcast %mul3A_49 : vector<1x128xf32> to vector<625x128xf32>
    %mul3A_51 = arith.mulf %mul3A_50, %dot_general3A_46 : vector<625x128xf32>
    %add3A_52 = arith.addf %add3A, %mul3A_51 : vector<625x128xf32>
    %get3A_53 = arith.constant 0 : index
    %get3A_54 = arith.constant 0 : index
    %get3A_55 = arith.constant 2 : index
    %get3A_56 = arith.constant 0 : index
    %get3A_57 = vector.load %arg1[%get3A_53, %get3A_54, %get3A_55, %get3A_56] : memref<1x625x7x128xf32, #tpu.memory_space<vmem>>, vector<1x625x1x128xf32>
    %get3A_58 = vector.shape_cast %get3A_57 : vector<1x625x1x128xf32> to vector<625x128xf32>
    %get3A_59 = arith.constant 2 : index
    %get3A_60 = arith.constant 0 : index
    %get3A_61 = arith.constant 0 : index
    %get3A_62 = vector.load %arg4[%get3A_59, %get3A_60, %get3A_61] : memref<7x128x128xf32, #tpu.memory_space<vmem>>, vector<1x128x128xf32>
    %get3A_63 = vector.shape_cast %get3A_62 : vector<1x128x128xf32> to vector<128x128xf32>
    %dot_general3A_64 = arith.constant dense<0.000000e+00> : vector<625x128xf32>
    %dot_general3A_65 = tpu.matmul %get3A_58, %get3A_63, %dot_general3A_64 {dimension_numbers = #tpu.dot_dimension_numbers<[1], [0], [0], [1], [0, 0, 1, 1], [], []>, transpose_lhs_hint = false} : vector<625x128xf32>, vector<128x128xf32>, vector<625x128xf32> -> vector<625x128xf32>
    %slice3A_66 = vector.extract_strided_slice %div3A_10 {offsets = [0, 2], sizes = [1, 1], strides = [1, 1]} : vector<1x8xf32> to vector<1x1xf32>
    %mul3A_67 = vector.broadcast %slice3A_66 : vector<1x1xf32> to vector<1x128xf32>
    %mul3A_68 = arith.mulf %mul3A_67, %get3A_1 : vector<1x128xf32>
    %mul3A_69 = vector.broadcast %mul3A_68 : vector<1x128xf32> to vector<625x128xf32>
    %mul3A_70 = arith.mulf %mul3A_69, %dot_general3A_65 : vector<625x128xf32>
    %add3A_71 = arith.addf %add3A_52, %mul3A_70 : vector<625x128xf32>
    %get3A_72 = arith.constant 0 : index
    %get3A_73 = arith.constant 0 : index
    %get3A_74 = arith.constant 3 : index
    %get3A_75 = arith.constant 0 : index
    %get3A_76 = vector.load %arg1[%get3A_72, %get3A_73, %get3A_74, %get3A_75] : memref<1x625x7x128xf32, #tpu.memory_space<vmem>>, vector<1x625x1x128xf32>
    %get3A_77 = vector.shape_cast %get3A_76 : vector<1x625x1x128xf32> to vector<625x128xf32>
    %get3A_78 = arith.constant 3 : index
    %get3A_79 = arith.constant 0 : index
    %get3A_80 = arith.constant 0 : index
    %get3A_81 = vector.load %arg4[%get3A_78, %get3A_79, %get3A_80] : memref<7x128x128xf32, #tpu.memory_space<vmem>>, vector<1x128x128xf32>
    %get3A_82 = vector.shape_cast %get3A_81 : vector<1x128x128xf32> to vector<128x128xf32>
    %dot_general3A_83 = arith.constant dense<0.000000e+00> : vector<625x128xf32>
    %dot_general3A_84 = tpu.matmul %get3A_77, %get3A_82, %dot_general3A_83 {dimension_numbers = #tpu.dot_dimension_numbers<[1], [0], [0], [1], [0, 0, 1, 1], [], []>, transpose_lhs_hint = false} : vector<625x128xf32>, vector<128x128xf32>, vector<625x128xf32> -> vector<625x128xf32>
    %slice3A_85 = vector.extract_strided_slice %div3A_10 {offsets = [0, 3], sizes = [1, 1], strides = [1, 1]} : vector<1x8xf32> to vector<1x1xf32>
    %mul3A_86 = vector.broadcast %slice3A_85 : vector<1x1xf32> to vector<1x128xf32>
    %mul3A_87 = arith.mulf %mul3A_86, %get3A_1 : vector<1x128xf32>
    %mul3A_88 = vector.broadcast %mul3A_87 : vector<1x128xf32> to vector<625x128xf32>
    %mul3A_89 = arith.mulf %mul3A_88, %dot_general3A_84 : vector<625x128xf32>
    %add3A_90 = arith.addf %add3A_71, %mul3A_89 : vector<625x128xf32>
    %get3A_91 = arith.constant 0 : index
    %get3A_92 = arith.constant 0 : index
    %get3A_93 = arith.constant 4 : index
    %get3A_94 = arith.constant 0 : index
    %get3A_95 = vector.load %arg1[%get3A_91, %get3A_92, %get3A_93, %get3A_94] : memref<1x625x7x128xf32, #tpu.memory_space<vmem>>, vector<1x625x1x128xf32>
    %get3A_96 = vector.shape_cast %get3A_95 : vector<1x625x1x128xf32> to vector<625x128xf32>
    %get3A_97 = arith.constant 4 : index
    %get3A_98 = arith.constant 0 : index
    %get3A_99 = arith.constant 0 : index
    %get3A_100 = vector.load %arg4[%get3A_97, %get3A_98, %get3A_99] : memref<7x128x128xf32, #tpu.memory_space<vmem>>, vector<1x128x128xf32>
    %get3A_101 = vector.shape_cast %get3A_100 : vector<1x128x128xf32> to vector<128x128xf32>
    %dot_general3A_102 = arith.constant dense<0.000000e+00> : vector<625x128xf32>
    %dot_general3A_103 = tpu.matmul %get3A_96, %get3A_101, %dot_general3A_102 {dimension_numbers = #tpu.dot_dimension_numbers<[1], [0], [0], [1], [0, 0, 1, 1], [], []>, transpose_lhs_hint = false} : vector<625x128xf32>, vector<128x128xf32>, vector<625x128xf32> -> vector<625x128xf32>
    %slice3A_104 = vector.extract_strided_slice %div3A_10 {offsets = [0, 4], sizes = [1, 1], strides = [1, 1]} : vector<1x8xf32> to vector<1x1xf32>
    %mul3A_105 = vector.broadcast %slice3A_104 : vector<1x1xf32> to vector<1x128xf32>
    %mul3A_106 = arith.mulf %mul3A_105, %get3A_1 : vector<1x128xf32>
    %mul3A_107 = vector.broadcast %mul3A_106 : vector<1x128xf32> to vector<625x128xf32>
    %mul3A_108 = arith.mulf %mul3A_107, %dot_general3A_103 : vector<625x128xf32>
    %add3A_109 = arith.addf %add3A_90, %mul3A_108 : vector<625x128xf32>
    %get3A_110 = arith.constant 0 : index
    %get3A_111 = arith.constant 0 : index
    %get3A_112 = arith.constant 5 : index
    %get3A_113 = arith.constant 0 : index
    %get3A_114 = vector.load %arg1[%get3A_110, %get3A_111, %get3A_112, %get3A_113] : memref<1x625x7x128xf32, #tpu.memory_space<vmem>>, vector<1x625x1x128xf32>
    %get3A_115 = vector.shape_cast %get3A_114 : vector<1x625x1x128xf32> to vector<625x128xf32>
    %get3A_116 = arith.constant 5 : index
    %get3A_117 = arith.constant 0 : index
    %get3A_118 = arith.constant 0 : index
    %get3A_119 = vector.load %arg4[%get3A_116, %get3A_117, %get3A_118] : memref<7x128x128xf32, #tpu.memory_space<vmem>>, vector<1x128x128xf32>
    %get3A_120 = vector.shape_cast %get3A_119 : vector<1x128x128xf32> to vector<128x128xf32>
    %dot_general3A_121 = arith.constant dense<0.000000e+00> : vector<625x128xf32>
    %dot_general3A_122 = tpu.matmul %get3A_115, %get3A_120, %dot_general3A_121 {dimension_numbers = #tpu.dot_dimension_numbers<[1], [0], [0], [1], [0, 0, 1, 1], [], []>, transpose_lhs_hint = false} : vector<625x128xf32>, vector<128x128xf32>, vector<625x128xf32> -> vector<625x128xf32>
    %slice3A_123 = vector.extract_strided_slice %div3A_10 {offsets = [0, 5], sizes = [1, 1], strides = [1, 1]} : vector<1x8xf32> to vector<1x1xf32>
    %mul3A_124 = vector.broadcast %slice3A_123 : vector<1x1xf32> to vector<1x128xf32>
    %mul3A_125 = arith.mulf %mul3A_124, %get3A_1 : vector<1x128xf32>
    %mul3A_126 = vector.broadcast %mul3A_125 : vector<1x128xf32> to vector<625x128xf32>
    %mul3A_127 = arith.mulf %mul3A_126, %dot_general3A_122 : vector<625x128xf32>
    %add3A_128 = arith.addf %add3A_109, %mul3A_127 : vector<625x128xf32>
    %get3A_129 = arith.constant 0 : index
    %get3A_130 = arith.constant 0 : index
    %get3A_131 = arith.constant 6 : index
    %get3A_132 = arith.constant 0 : index
    %get3A_133 = vector.load %arg1[%get3A_129, %get3A_130, %get3A_131, %get3A_132] : memref<1x625x7x128xf32, #tpu.memory_space<vmem>>, vector<1x625x1x128xf32>
    %get3A_134 = vector.shape_cast %get3A_133 : vector<1x625x1x128xf32> to vector<625x128xf32>
    %get3A_135 = arith.constant 6 : index
    %get3A_136 = arith.constant 0 : index
    %get3A_137 = arith.constant 0 : index
    %get3A_138 = vector.load %arg4[%get3A_135, %get3A_136, %get3A_137] : memref<7x128x128xf32, #tpu.memory_space<vmem>>, vector<1x128x128xf32>
    %get3A_139 = vector.shape_cast %get3A_138 : vector<1x128x128xf32> to vector<128x128xf32>
    %dot_general3A_140 = arith.constant dense<0.000000e+00> : vector<625x128xf32>
    %dot_general3A_141 = tpu.matmul %get3A_134, %get3A_139, %dot_general3A_140 {dimension_numbers = #tpu.dot_dimension_numbers<[1], [0], [0], [1], [0, 0, 1, 1], [], []>, transpose_lhs_hint = false} : vector<625x128xf32>, vector<128x128xf32>, vector<625x128xf32> -> vector<625x128xf32>
    %slice3A_142 = vector.extract_strided_slice %div3A_10 {offsets = [0, 6], sizes = [1, 1], strides = [1, 1]} : vector<1x8xf32> to vector<1x1xf32>
    %mul3A_143 = vector.broadcast %slice3A_142 : vector<1x1xf32> to vector<1x128xf32>
    %mul3A_144 = arith.mulf %mul3A_143, %get3A_1 : vector<1x128xf32>
    %mul3A_145 = vector.broadcast %mul3A_144 : vector<1x128xf32> to vector<625x128xf32>
    %mul3A_146 = arith.mulf %mul3A_145, %dot_general3A_141 : vector<625x128xf32>
    %add3A_147 = arith.addf %add3A_128, %mul3A_146 : vector<625x128xf32>
    %gt3A = arith.constant 0.000000e+00 : f32
    %gt3A_148 = vector.broadcast %gt3A : f32 to vector<625x128xf32>
    %gt3A_149 = arith.cmpf ogt, %add3A_147, %gt3A_148 : vector<625x128xf32>
    %min3A = arith.constant 0.000000e+00 : f32
    %min3A_150 = vector.broadcast %min3A : f32 to vector<625x128xf32>
    %min3A_151 = arith.minimumf %add3A_147, %min3A_150 : vector<625x128xf32>
    %exp3A_152 = math.exp %min3A_151 : vector<625x128xf32>
    %sub3A_153 = arith.constant 1.000000e+00 : f32
    %sub3A_154 = vector.broadcast %sub3A_153 : f32 to vector<625x128xf32>
    %sub3A_155 = arith.subf %exp3A_152, %sub3A_154 : vector<625x128xf32>
    %select_n3A = arith.select %gt3A_149, %add3A_147, %sub3A_155 : vector<625x128xi1>, vector<625x128xf32>
    %swap3A_156 = arith.constant 0 : index
    %swap3A_157 = arith.constant 0 : index
    %swap3A_158 = arith.constant 0 : index
    %swap3A_159 = vector.load %arg5[%swap3A_156, %swap3A_157, %swap3A_158] : memref<1x625x128xf32, #tpu.memory_space<vmem>>, vector<1x625x128xf32>
    %swap3A_160 = vector.shape_cast %swap3A_159 : vector<1x625x128xf32> to vector<625x128xf32>
    %swap3A_161 = vector.shape_cast %select_n3A : vector<625x128xf32> to vector<1x625x128xf32>
    tpu.vector_store %arg5[%swap3A_156, %swap3A_157, %swap3A_158], %swap3A_161 {strides = array<i32>} : memref<1x625x128xf32, #tpu.memory_space<vmem>>, vector<1x625x128xf32>,
    return
  }
  func.func @transform_0(%arg0: i32) -> (i32, i32, i32, i32) {
    %c0_i32 = arith.constant 0 : i32
    %c0_i32_0 = arith.constant 0 : i32
    %c0_i32_1 = arith.constant 0 : i32
    %c0_i32_2 = arith.constant 0 : i32
    return %arg0, %c0_i32, %c0_i32_0, %c0_i32_1 : i32, i32, i32, i32
  }
  func.func @transform_1(%arg0: i32) -> (i32, i32) {
    %c0_i32 = arith.constant 0 : i32
    %c0_i32_0 = arith.constant 0 : i32
    %c0_i32_1 = arith.constant 0 : i32
    return %c0_i32, %c0_i32_0 : i32, i32
  }
  func.func @transform_2(%arg0: i32) -> (i32, i32) {
    %c0_i32 = arith.constant 0 : i32
    %c0_i32_0 = arith.constant 0 : i32
    %c0_i32_1 = arith.constant 0 : i32
    return %c0_i32, %c0_i32_0 : i32, i32
  }
  func.func @transform_3(%arg0: i32) -> (i32, i32, i32) {
    %c0_i32 = arith.constant 0 : i32
    %c0_i32_0 = arith.constant 0 : i32
    %c0_i32_1 = arith.constant 0 : i32
    %c0_i32_2 = arith.constant 0 : i32
    return %c0_i32, %c0_i32_0, %c0_i32_1 : i32, i32, i32
  }
  func.func @transform_4(%arg0: i32) -> (i32, i32, i32) {
    %c0_i32 = arith.constant 0 : i32
    %c0_i32_0 = arith.constant 0 : i32
    %c0_i32_1 = arith.constant 0 : i32
    return %arg0, %c0_i32, %c0_i32_0 : i32, i32, i32
  }
  func.func @transform_5(%arg0: i32) -> (i32, i32, i32) {
    %c0_i32 = arith.constant 0 : i32
    %c0_i32_0 = arith.constant 0 : i32
    %c0_i32_1 = arith.constant 0 : i32
    return %arg0, %c0_i32, %c0_i32_0 : i32, i32, i32
  }
}

module attributes {stable_mosaic.version = 14 : i64} {
  func.func @_matvec_body(%arg0: i32, %arg1: memref<1x1000x128xf32, #tpu.memory_space<vmem>>, %arg2: memref<2x1x1000x128xf32, #tpu.memory_space<vmem>>, %arg3: memref<128x128xf32, #tpu.memory_space<vmem>>, %arg4: memref<128x128xf32, #tpu.memory_space<vmem>>, %arg5: memref<1x1000x1xf32, #tpu.memory_space<vmem>>, %arg6: memref<1x1000x1xf32, #tpu.memory_space<vmem>>) attributes {dimension_semantics = [#tpu.dimension_semantics<arbitrary>], iteration_bounds = array<i64: 10>, scalar_prefetch = 0 : i64, scratch_operands = 0 : i64, tpu.core_type = #tpu.core_type<tc>, window_params = [{transform_indices = @transform_0, window_bounds = array<i64: 1, 1000, 128>}, {transform_indices = @transform_1, window_bounds = array<i64: 2, 1, 1000, 128>}, {pipeline_mode = #tpu.pipeline_mode<synchronous>, transform_indices = @transform_2, window_bounds = array<i64: 128, 128>}, {pipeline_mode = #tpu.pipeline_mode<synchronous>, transform_indices = @transform_3, window_bounds = array<i64: 128, 128>}, {transform_indices = @transform_4, window_bounds = array<i64: 1, 1000, 1>}, {transform_indices = @transform_5, window_bounds = array<i64: 1, 1000, 1>}]} {
    %get3A = arith.constant 0 : index
    %get3A_0 = arith.constant 0 : index
    %get3A_1 = arith.constant 0 : index
    %get3A_2 = vector.load %arg1[%get3A, %get3A_0, %get3A_1] : memref<1x1000x128xf32, #tpu.memory_space<vmem>>, vector<1x1000x128xf32>
    %get3A_3 = vector.shape_cast %get3A_2 : vector<1x1000x128xf32> to vector<1000x128xf32>
    %get3A_4 = arith.constant 0 : index
    %get3A_5 = arith.constant 0 : index
    %get3A_6 = vector.load %arg3[%get3A_4, %get3A_5] : memref<128x128xf32, #tpu.memory_space<vmem>>, vector<128x128xf32>
    %dot_general3A = arith.constant dense<0.000000e+00> : vector<1000x128xf32>
    %dot_general3A_7 = tpu.matmul %get3A_3, %get3A_6, %dot_general3A {dimension_numbers = #tpu.dot_dimension_numbers<[1], [0], [0], [1], [0, 0, 1, 1], [], []>, transpose_lhs_hint = false} : vector<1000x128xf32>, vector<128x128xf32>, vector<1000x128xf32> -> vector<1000x128xf32>
    %slice3A = vector.extract_strided_slice %dot_general3A_7 {offsets = [0, 0], sizes = [1000, 1], strides = [1, 1]} : vector<1000x128xf32> to vector<1000x1xf32>
    %swap3A = arith.constant 0 : index
    %swap3A_8 = arith.constant 0 : index
    %swap3A_9 = arith.constant 0 : index
    %swap3A_10 = vector.load %arg5[%swap3A, %swap3A_8, %swap3A_9] : memref<1x1000x1xf32, #tpu.memory_space<vmem>>, vector<1x1000x1xf32>
    %swap3A_11 = vector.shape_cast %swap3A_10 : vector<1x1000x1xf32> to vector<1000x1xf32>
    %swap3A_12 = vector.shape_cast %slice3A : vector<1000x1xf32> to vector<1x1000x1xf32>
    tpu.vector_store %arg5[%swap3A, %swap3A_8, %swap3A_9], %swap3A_12 {strides = array<i32>} : memref<1x1000x1xf32, #tpu.memory_space<vmem>>, vector<1x1000x1xf32>,
    %get3A_13 = arith.constant 0 : index
    %get3A_14 = arith.constant 0 : index
    %get3A_15 = arith.constant 0 : index
    %get3A_16 = arith.constant 0 : index
    %get3A_17 = vector.load %arg2[%get3A_13, %get3A_14, %get3A_15, %get3A_16] : memref<2x1x1000x128xf32, #tpu.memory_space<vmem>>, vector<1x1x1000x128xf32>
    %get3A_18 = vector.shape_cast %get3A_17 : vector<1x1x1000x128xf32> to vector<1000x128xf32>
    %get3A_19 = arith.constant 1 : index
    %get3A_20 = arith.constant 0 : index
    %get3A_21 = arith.constant 0 : index
    %get3A_22 = arith.constant 0 : index
    %get3A_23 = vector.load %arg2[%get3A_19, %get3A_20, %get3A_21, %get3A_22] : memref<2x1x1000x128xf32, #tpu.memory_space<vmem>>, vector<1x1x1000x128xf32>
    %get3A_24 = vector.shape_cast %get3A_23 : vector<1x1x1000x128xf32> to vector<1000x128xf32>
    %add3A = arith.addf %get3A_18, %get3A_24 : vector<1000x128xf32>
    %get3A_25 = arith.constant 0 : index
    %get3A_26 = arith.constant 0 : index
    %get3A_27 = vector.load %arg4[%get3A_25, %get3A_26] : memref<128x128xf32, #tpu.memory_space<vmem>>, vector<128x128xf32>
    %dot_general3A_28 = arith.constant dense<0.000000e+00> : vector<1000x128xf32>
    %dot_general3A_29 = tpu.matmul %add3A, %get3A_27, %dot_general3A_28 {dimension_numbers = #tpu.dot_dimension_numbers<[1], [0], [0], [1], [0, 0, 1, 1], [], []>, transpose_lhs_hint = false} : vector<1000x128xf32>, vector<128x128xf32>, vector<1000x128xf32> -> vector<1000x128xf32>
    %slice3A_30 = vector.extract_strided_slice %dot_general3A_29 {offsets = [0, 0], sizes = [1000, 1], strides = [1, 1]} : vector<1000x128xf32> to vector<1000x1xf32>
    %swap3A_31 = arith.constant 0 : index
    %swap3A_32 = arith.constant 0 : index
    %swap3A_33 = arith.constant 0 : index
    %swap3A_34 = vector.load %arg6[%swap3A_31, %swap3A_32, %swap3A_33] : memref<1x1000x1xf32, #tpu.memory_space<vmem>>, vector<1x1000x1xf32>
    %swap3A_35 = vector.shape_cast %swap3A_34 : vector<1x1000x1xf32> to vector<1000x1xf32>
    %swap3A_36 = vector.shape_cast %slice3A_30 : vector<1000x1xf32> to vector<1x1000x1xf32>
    tpu.vector_store %arg6[%swap3A_31, %swap3A_32, %swap3A_33], %swap3A_36 {strides = array<i32>} : memref<1x1000x1xf32, #tpu.memory_space<vmem>>, vector<1x1000x1xf32>,
    return
  }
  func.func @transform_0(%arg0: i32) -> (i32, i32, i32) {
    %c0_i32 = arith.constant 0 : i32
    %c0_i32_0 = arith.constant 0 : i32
    %c0_i32_1 = arith.constant 0 : i32
    return %arg0, %c0_i32, %c0_i32_0 : i32, i32, i32
  }
  func.func @transform_1(%arg0: i32) -> (i32, i32, i32, i32) {
    %c0_i32 = arith.constant 0 : i32
    %c0_i32_0 = arith.constant 0 : i32
    %c0_i32_1 = arith.constant 0 : i32
    %c0_i32_2 = arith.constant 0 : i32
    return %c0_i32, %arg0, %c0_i32_0, %c0_i32_1 : i32, i32, i32, i32
  }
  func.func @transform_2(%arg0: i32) -> (i32, i32) {
    %c0_i32 = arith.constant 0 : i32
    %c0_i32_0 = arith.constant 0 : i32
    %c0_i32_1 = arith.constant 0 : i32
    return %c0_i32, %c0_i32_0 : i32, i32
  }
  func.func @transform_3(%arg0: i32) -> (i32, i32) {
    %c0_i32 = arith.constant 0 : i32
    %c0_i32_0 = arith.constant 0 : i32
    %c0_i32_1 = arith.constant 0 : i32
    return %c0_i32, %c0_i32_0 : i32, i32
  }
  func.func @transform_4(%arg0: i32) -> (i32, i32, i32) {
    %c0_i32 = arith.constant 0 : i32
    %c0_i32_0 = arith.constant 0 : i32
    %c0_i32_1 = arith.constant 0 : i32
    return %arg0, %c0_i32, %c0_i32_0 : i32, i32, i32
  }
  func.func @transform_5(%arg0: i32) -> (i32, i32, i32) {
    %c0_i32 = arith.constant 0 : i32
    %c0_i32_0 = arith.constant 0 : i32
    %c0_i32_1 = arith.constant 0 : i32
    return %arg0, %c0_i32, %c0_i32_0 : i32, i32, i32
  }
}

module attributes {stable_mosaic.version = 14 : i64} {
  func.func @_finish_body(%arg0: i32, %arg1: memref<1x625x1xf32, #tpu.memory_space<vmem>>, %arg2: memref<1x625x1xf32, #tpu.memory_space<vmem>>, %arg3: memref<1x1x8xf32, #tpu.memory_space<vmem>>, %arg4: memref<1x625x1xf32, #tpu.memory_space<vmem>>) attributes {dimension_semantics = [#tpu.dimension_semantics<arbitrary>], iteration_bounds = array<i64: 16>, scalar_prefetch = 0 : i64, scratch_operands = 0 : i64, tpu.core_type = #tpu.core_type<tc>, window_params = [{transform_indices = @transform_0, window_bounds = array<i64: 1, 625, 1>}, {transform_indices = @transform_1, window_bounds = array<i64: 1, 625, 1>}, {transform_indices = @transform_2, window_bounds = array<i64: 1, 1, 8>}, {transform_indices = @transform_3, window_bounds = array<i64: 1, 625, 1>}]} {
    %get3A = arith.constant 0 : index
    %get3A_0 = arith.constant 0 : index
    %get3A_1 = arith.constant 0 : index
    %get3A_2 = vector.load %arg3[%get3A, %get3A_0, %get3A_1] : memref<1x1x8xf32, #tpu.memory_space<vmem>>, vector<1x1x8xf32>
    %get3A_3 = vector.shape_cast %get3A_2 : vector<1x1x8xf32> to vector<1x8xf32>
    %slice3A = vector.extract_strided_slice %get3A_3 {offsets = [0, 7], sizes = [1, 1], strides = [1, 1]} : vector<1x8xf32> to vector<1x1xf32>
    %get3A_4 = arith.constant 0 : index
    %get3A_5 = arith.constant 0 : index
    %get3A_6 = arith.constant 0 : index
    %get3A_7 = vector.load %arg2[%get3A_4, %get3A_5, %get3A_6] : memref<1x625x1xf32, #tpu.memory_space<vmem>>, vector<1x625x1xf32>
    %get3A_8 = vector.shape_cast %get3A_7 : vector<1x625x1xf32> to vector<625x1xf32>
    %reduce_max3A = vector.shape_cast %get3A_8 : vector<625x1xf32> to vector<1x625x1xf32>
    %reduce_max3A_9 = arith.constant dense<0xFF800000> : vector<1xf32>
    %reduce_max3A_10 = vector.multi_reduction <maximumf>, %reduce_max3A, %reduce_max3A_9 [1, 2] : vector<1x625x1xf32> to vector<1xf32>
    %reduce_max3A_11 = vector.shape_cast %reduce_max3A_10 : vector<1xf32> to vector<1x1x1xf32>
    %reduce_max3A_12 = vector.extract %reduce_max3A_11[0, 0, 0] : f32 from vector<1x1x1xf32>
    %sub3A = vector.broadcast %reduce_max3A_12 : f32 to vector<625x1xf32>
    %sub3A_13 = arith.subf %get3A_8, %sub3A : vector<625x1xf32>
    %exp3A = math.exp %sub3A_13 : vector<625x1xf32>
    %reduce_sum3A = vector.shape_cast %exp3A : vector<625x1xf32> to vector<1x625x1xf32>
    %reduce_sum3A_14 = arith.constant dense<0.000000e+00> : vector<1xf32>
    %reduce_sum3A_15 = vector.multi_reduction <add>, %reduce_sum3A, %reduce_sum3A_14 [1, 2] : vector<1x625x1xf32> to vector<1xf32>
    %reduce_sum3A_16 = vector.shape_cast %reduce_sum3A_15 : vector<1xf32> to vector<1x1x1xf32>
    %reduce_sum3A_17 = vector.extract %reduce_sum3A_16[0, 0, 0] : f32 from vector<1x1x1xf32>
    %div3A = vector.broadcast %reduce_sum3A_17 : f32 to vector<625x1xf32>
    %div3A_18 = arith.divf %exp3A, %div3A : vector<625x1xf32>
    %mul3A = vector.broadcast %slice3A : vector<1x1xf32> to vector<625x1xf32>
    %mul3A_19 = arith.mulf %mul3A, %div3A_18 : vector<625x1xf32>
    %sub3A_20 = arith.constant 1.000000e+00 : f32
    %sub3A_21 = vector.broadcast %sub3A_20 : f32 to vector<1x1xf32>
    %sub3A_22 = arith.subf %sub3A_21, %slice3A : vector<1x1xf32>
    %get3A_23 = arith.constant 0 : index
    %get3A_24 = arith.constant 0 : index
    %get3A_25 = arith.constant 0 : index
    %get3A_26 = vector.load %arg1[%get3A_23, %get3A_24, %get3A_25] : memref<1x625x1xf32, #tpu.memory_space<vmem>>, vector<1x625x1xf32>
    %get3A_27 = vector.shape_cast %get3A_26 : vector<1x625x1xf32> to vector<625x1xf32>
    %reduce_max3A_28 = vector.shape_cast %get3A_27 : vector<625x1xf32> to vector<1x625x1xf32>
    %reduce_max3A_29 = arith.constant dense<0xFF800000> : vector<1xf32>
    %reduce_max3A_30 = vector.multi_reduction <maximumf>, %reduce_max3A_28, %reduce_max3A_29 [1, 2] : vector<1x625x1xf32> to vector<1xf32>
    %reduce_max3A_31 = vector.shape_cast %reduce_max3A_30 : vector<1xf32> to vector<1x1x1xf32>
    %reduce_max3A_32 = vector.extract %reduce_max3A_31[0, 0, 0] : f32 from vector<1x1x1xf32>
    %sub3A_33 = vector.broadcast %reduce_max3A_32 : f32 to vector<625x1xf32>
    %sub3A_34 = arith.subf %get3A_27, %sub3A_33 : vector<625x1xf32>
    %exp3A_35 = math.exp %sub3A_34 : vector<625x1xf32>
    %reduce_sum3A_36 = vector.shape_cast %exp3A_35 : vector<625x1xf32> to vector<1x625x1xf32>
    %reduce_sum3A_37 = arith.constant dense<0.000000e+00> : vector<1xf32>
    %reduce_sum3A_38 = vector.multi_reduction <add>, %reduce_sum3A_36, %reduce_sum3A_37 [1, 2] : vector<1x625x1xf32> to vector<1xf32>
    %reduce_sum3A_39 = vector.shape_cast %reduce_sum3A_38 : vector<1xf32> to vector<1x1x1xf32>
    %reduce_sum3A_40 = vector.extract %reduce_sum3A_39[0, 0, 0] : f32 from vector<1x1x1xf32>
    %div3A_41 = vector.broadcast %reduce_sum3A_40 : f32 to vector<625x1xf32>
    %div3A_42 = arith.divf %exp3A_35, %div3A_41 : vector<625x1xf32>
    %mul3A_43 = vector.broadcast %sub3A_22 : vector<1x1xf32> to vector<625x1xf32>
    %mul3A_44 = arith.mulf %mul3A_43, %div3A_42 : vector<625x1xf32>
    %add3A = arith.addf %mul3A_19, %mul3A_44 : vector<625x1xf32>
    %swap3A = arith.constant 0 : index
    %swap3A_45 = arith.constant 0 : index
    %swap3A_46 = arith.constant 0 : index
    %swap3A_47 = vector.load %arg4[%swap3A, %swap3A_45, %swap3A_46] : memref<1x625x1xf32, #tpu.memory_space<vmem>>, vector<1x625x1xf32>
    %swap3A_48 = vector.shape_cast %swap3A_47 : vector<1x625x1xf32> to vector<625x1xf32>
    %swap3A_49 = vector.shape_cast %add3A : vector<625x1xf32> to vector<1x625x1xf32>
    tpu.vector_store %arg4[%swap3A, %swap3A_45, %swap3A_46], %swap3A_49 {strides = array<i32>} : memref<1x625x1xf32, #tpu.memory_space<vmem>>, vector<1x625x1xf32>,
    return
  }
  func.func @transform_0(%arg0: i32) -> (i32, i32, i32) {
    %c0_i32 = arith.constant 0 : i32
    %c0_i32_0 = arith.constant 0 : i32
    %c0_i32_1 = arith.constant 0 : i32
    return %arg0, %c0_i32, %c0_i32_0 : i32, i32, i32
  }
  func.func @transform_1(%arg0: i32) -> (i32, i32, i32) {
    %c0_i32 = arith.constant 0 : i32
    %c0_i32_0 = arith.constant 0 : i32
    %c0_i32_1 = arith.constant 0 : i32
    return %arg0, %c0_i32, %c0_i32_0 : i32, i32, i32
  }
  func.func @transform_2(%arg0: i32) -> (i32, i32, i32) {
    %c0_i32 = arith.constant 0 : i32
    %c0_i32_0 = arith.constant 0 : i32
    %c0_i32_1 = arith.constant 0 : i32
    return %arg0, %c0_i32, %c0_i32_0 : i32, i32, i32
  }
  func.func @transform_3(%arg0: i32) -> (i32, i32, i32) {
    %c0_i32 = arith.constant 0 : i32
    %c0_i32_0 = arith.constant 0 : i32
    %c0_i32_1 = arith.constant 0 : i32
    return %arg0, %c0_i32, %c0_i32_0 : i32, i32, i32
  }
}

</mosaic_0001>

<sc_bundles>
// kernel: kernel.11.cloned.1.call-start
scs
__scs_entry_jumppad:
0x0: {  	(pc) =	sbr.rel $0x88, $3  }
0x1: {  	(tag) =	ssettag $0x0;
	lr =	simm.s32 $0x1  }
0x2: {  	[smem:$0x3F97] =	sst lr;
	_ =	strace $0xD0000000  }
0x3: {  	_ = 	snop  }
0x4: {  	_ = 	snop  }
0x5: {  	_ = 	snop  }
0x6: {  	_ = 	snop  }
0x7: {  	_ = 	snop  }
__scs_overlays_trampoline_lowered:
0x8: {  	[smem:$0x3FA6] =	sst s0  }
0x9: {  	[smem:$0x3FA7] =	sst s1  }
0xa: {  	[smem:$0x3FA8] =	sst s2  }
0xb: {  	[smem:$0x3FA9] =	sst s3  }
0xc: {  	[smem:$0x3FAA] =	sst s4  }
0xd: {  	[smem:$0x3FAB] =	sst s5  }
0xe: {  	[smem:$0x3FAC] =	sst s6  }
0xf: {  	[smem:$0x3FAD] =	sst s7  }
0x10: {  	[smem:$0x3FAE] =	sst s8  }
0x11: {  	[smem:$0x3FAF] =	sst s9;
	s0 =	simm.s32 @!p0 $0x0  }
0x12: {  	s1 =	sld [smem:$0x3F95];
	s0 =	simm.s32 @p0 $0x1  }
0x13: {  	[smem:$0x3FB0] =	sst s0;
	s0 =	simm.s32 @!p1 $0x0  }
0x14: {  	s2 =	sld [smem:$0x3F94];
	s0 =	simm.s32 @p1 $0x1  }
0x15: {  	[smem:$0x3FB1] =	sst s0;
	s0 =	simm.s32 @!p2 $0x0  }
0x16: {  	s3 =	sld [smem:$0x3FDB];
	s0 =	simm.s32 @p2 $0x1  }
0x17: {  	s4 =	simm.s32 $0x1BF5;
	[smem:$0x3FB3] =	sst s0  }
0x18: {  	s0 =	sld [smem:$0x3F96];
	_ =	swait.ge [sflag:s4], $0x0  }
0x19: {  	s7 =	sld [smem:$0x3F97]  }
0x1a: {  	s8 =	sadd.s32 $0xFFFFE003, lr  }
0x1b: {  	s9 =	sadd.s32 $0xFFFFFEF7, lr;
	s5 =	simm.s32 $0xFFFFFFFF;
	p2 =	slt.u32 s8, $0xFFFFF086  }
0x1c: {  	p1 =	slt.u32 s9, $0xF7A;
	s5 =	simm.s32 @!p2 $0x0  }
0x1d: {  	s5 =	simm.s32 @p1 $0x1;
	p0 =	seq.s32 s7, s2  }
0x1e: {  	s7 =	smul.u32 @!p0 $0xF7A, s2;
	p2 =	seq.s32 @!p0 s5, $0x0  }
0x1f: {  	s9 =	smul.u32 $0xF7A, s1;
	s8 =	simm.s32 @!p0 $0x1BF5;
	p2 =	por !p2, p0  }
0x20: {  	[sflag:s8] =	ssyncset.s32 @!p0 $0xFFFFF086;
	s6 =	sadd.s32 @!p0 s3, s7;
	s7 =	simm.s32 @!p0 $0x108  }
0x21: {  	s3 =	sadd.s32 s3, s9;
	s6 =	sadd.s32 @!p0 $0x88, s6;
	s7 =	simm.s32 @p2 $0x1082  }
0x22: {  	[simem:s7], [sflag:s8] =	dma.local @!p0 [hbm:s6], $0xF7A  }
0x23: {  	s9 =	sor.u32 $0xD0000000, s2;
	s6 =	simm.s32 $0x108;
	_ =	swait.ge @!p0 [sflag:s8], $0x0  }
0x24: {  	s3 =	sadd.s32 $0x88, s3;
	s6 =	simm.s32 @!p1 $0x1082;
	[sflag:s4] =	ssyncset.s32 $0xFFFFF086  }
0x25: {  	[simem:s6], [sflag:s4] =	dma.local [hbm:s3], $0xF7A  }
0x26: {  	[smem:$0x3F97] =	sst s1;
	(tag) =	ssettag s2;
	_ =	strace s9  }
0x27: {  	s1 =	sld [smem:$0x3FA7]  }
0x28: {  	s2 =	sld [smem:$0x3FA8]  }
0x29: {  	s4 =	sld [smem:$0x3FAA]  }
0x2a: {  	p0 =	seq.s32 s5, $0x0;
	s5 =	sld [smem:$0x3FAB]  }
0x2b: {  	s6 =	sld [smem:$0x3FAC]  }
0x2c: {  	s7 =	sld [smem:$0x3FAD]  }
0x2d: {  	s3 =	simm.s32 $0x108;
	s8 =	sld [smem:$0x3FAE]  }
0x2e: {  	s3 =	simm.s32 @!p0 $0x1082;
	s9 =	sld [smem:$0x3FAF]  }
0x2f: {  	lr =	sadd.s32 s0, s3;
	s0 =	sld [smem:$0x3FA6]  }
0x30: {  	s3 =	sld [smem:$0x3FA9]  }
0x31: {  	[smem:$0x3FB2] =	sst s10  }
0x32: {  	s10 =	sld [smem:$0x3FB0];
	_ =	sdelay $0x3  }
0x33: {  	p0 =	seq.s32 s10, $0x1;
	s10 =	sld [smem:$0x3FB2];
	_ =	sdelay $0x3  }
0x34: {  	[smem:$0x3FB2] =	sst s10  }
0x35: {  	s10 =	sld [smem:$0x3FB1];
	_ =	sdelay $0x3  }
0x36: {  	p1 =	seq.s32 s10, $0x1;
	s10 =	sld [smem:$0x3FB2];
	_ =	sdelay $0x3  }
0x37: {  	[smem:$0x3FB2] =	sst s10  }
0x38: {  	s10 =	sld [smem:$0x3FB3]  }
0x39: {  	_ = 	snop;
	(pc) =	sbr.ind lr, $3  }
0x3a: {  	_ = 	snop  }
0x3b: {  	_ = 	snop  }
0x3c: {  	p2 =	seq.s32 s10, $0x1;
	s10 =	sld [smem:$0x3FB2]  }
0x3d: {  	_ =	shalt  }
0x3e: {  	_ =	shalt  }
0x3f: {  	_ =	shalt  }
0x40: {  	_ =	shalt  }
0x41: {  	_ =	shalt  }
0x42: {  	_ =	shalt  }
0x43: {  	_ =	shalt  }
0x44: {  	_ =	shalt  }
0x45: {  	_ =	shalt  }
0x46: {  	_ =	shalt  }
0x47: {  	_ =	shalt  }
0x48: {  	_ =	shalt  }
0x49: {  	_ =	shalt  }
0x4a: {  	_ =	shalt  }
0x4b: {  	_ =	shalt  }
0x4c: {  	_ =	shalt  }
0x4d: {  	_ =	shalt  }
0x4e: {  	_ =	shalt  }
0x4f: {  	_ =	shalt  }
0x50: {  	_ =	shalt  }
0x51: {  	_ =	shalt  }
0x52: {  	_ =	shalt  }
0x53: {  	_ =	shalt  }
0x54: {  	_ =	shalt  }
0x55: {  	_ =	shalt  }
0x56: {  	_ =	shalt  }
0x57: {  	_ =	shalt  }
0x58: {  	_ =	shalt  }
0x59: {  	_ =	shalt  }
0x5a: {  	_ =	shalt  }
0x5b: {  	_ =	shalt  }
0x5c: {  	_ =	shalt  }
0x5d: {  	_ =	shalt  }
0x5e: {  	_ =	shalt  }
0x5f: {  	_ =	shalt  }
0x60: {  	_ =	shalt  }
0x61: {  	_ =	shalt  }
0x62: {  	_ =	shalt  }
0x63: {  	_ =	shalt  }
0x64: {  	_ =	shalt  }
0x65: {  	_ =	shalt  }
0x66: {  	_ =	shalt  }
0x67: {  	_ =	shalt  }
0x68: {  	_ =	shalt  }
0x69: {  	_ =	shalt  }
0x6a: {  	_ =	shalt  }
0x6b: {  	_ =	shalt  }
0x6c: {  	_ =	shalt  }
0x6d: {  	_ =	shalt  }
0x6e: {  	_ =	shalt  }
0x6f: {  	_ =	shalt  }
0x70: {  	_ =	shalt  }
0x71: {  	_ =	shalt  }
0x72: {  	_ =	shalt  }
0x73: {  	_ =	shalt  }
0x74: {  	_ =	shalt  }
0x75: {  	_ =	shalt  }
0x76: {  	_ =	shalt  }
0x77: {  	_ =	shalt  }
0x78: {  	_ =	shalt  }
0x79: {  	_ =	shalt  }
0x7a: {  	_ =	shalt  }
0x7b: {  	_ =	shalt  }
0x7c: {  	_ =	shalt  }
0x7d: {  	_ =	shalt  }
0x7e: {  	_ =	shalt  }
0x7f: {  	_ =	shalt  }
0x80: {  	_ =	shalt  }
0x81: {  	_ =	shalt  }
0x82: {  	_ =	shalt  }
0x83: {  	_ =	shalt  }
0x84: {  	_ =	shalt  }
0x85: {  	_ =	shalt  }
0x86: {  	_ =	shalt  }
0x87: {  	_ =	shalt  }
.Lfunc_end0:
.L_simem_size_0:
called_computation.1_lowered:
.L_overlay_start_0:
0x88: {  	s2 =	sld [smem:$0x3FD9]  }
0x89: {  	s3 =	sld [smem:$0x3FFE];
	_ =	sdelay $0x1  }
0x8a: {  	s1 =	srdreg.scid  }
0x8b: {  	s0 =	sand.u32 $0x1, s1  }
0x8c: {  	s16 =	sshll.u32 s0, $0xA;
	s2 =	sadd.s32 s3, s2  }
0x8d: {  	s2 =	sadd.s32 s2, s16  }
0x8e: {  	[smem:$0x3FBE] =	sst s2  }
0x8f: {  	_ = 	snop  }
0x90: {  	(tm) =	ssettm $0x1  }
0x91: {  	s17 =	sld [smem:$0x3FFB];
	_ =	sdelay $0x3  }
0x92: {  	_ =	strace s17  }
0x93: {  	s2 =	sld [smem:$0x3FFC];
	_ =	sdelay $0x3  }
0x94: {  	_ =	strace s2  }
0x95: {  	s2 =	sld [smem:$0x3FFD];
	_ =	sdelay $0x3  }
0x96: {  	_ =	strace s2  }
0x97: {  	_ =	strace $0x8FFFFFFF  }
0x98: {  	s18 =	sld [smem:$0x3FDB];
	_ =	sdelay $0x1  }
0x99: {  	s19 =	simm.s32 $_scs_section_size  }
0x9a: {  	s4 =	simm.s32 $_size__tile_overlayer_lowered;
	s5 =	simm.s32 $_tile_overlayer_lowered  }
0x9b: {  	s22 =	simm.s32 $0x1BFF;
	s21 =	sshll.u32 s5, $0x1;
	s2 =	sadd.s32 s19, s18  }
0x9c: {  	s6 =	simm.s32 $0x0;
	s20 =	sshll.u32 s4, $0x1;
	s4 =	sadd.s32 s21, s2  }
0x9d: {  	[timem:s6], [sflag:s22] =	dma.local [hbm:s4], s20  }
0x9e: {  	_ =	swait.ge [sflag:s22], s20  }
0x9f: {  	s3 =	ssub.s32 $0x0, s20;
	[sflag:s22] =	ssyncset.done $0x0  }
0xa0: {  	[sflag:s22] =	ssyncadd.s32 s3;
	_ =	sdelay $0x1  }
0xa1: {  	s23 =	simm.s32 $0x1B8B  }
0xa2: {  	_ =	swait.ge [sflag:s23], $0x1  }
0xa3: {  	[sflag:s23] =	ssyncset.done $0x0  }
0xa4: {  	s25 =	simm.s32 $0x1B8E;
	s24 =	sld [smem:$0x3FFE];
	[sflag:s23] =	ssyncadd.s32 $0xFFFFFFFF  }
0xa5: {  	s26 =	simm.s32 $execute0_lowered;
	[smem:$0x3FD2] =	sst s25  }
0xa6: {  	s4 =	sshll.u32 s26, $0x1;
	_ =	strace $0x80000049;
	[dreg:$0x1] =	wrdreg $0xFFFFFFFF  }
0xa7: {  	s28 =	simm.s32 $_size_execute0_lowered;
	s2 =	sadd.s32 s2, s4;
	[dreg:$0x0] =	wrdreg $0x0  }
0xa8: {  	s4 =	sshll.u32 s28, $0x1;
	[dreg:$0x2] =	wrdreg s2  }
0xa9: {  	[dreg:$0x3] =	wrdreg s4  }
0xaa: {  	[dreg:$0x4] =	wrdreg $0xC0  }
0xab: {  	_ =	task [dreg:s6], $0x5FFFF  }
0xac: {  	[dreg:$0x1] =	wrdreg $0xFFFFFFFF  }
0xad: {  	[dreg:$0x0] =	wrdreg $0x60  }
0xae: {  	[dreg:$0x2] =	wrdreg s24  }
0xaf: {  	[dreg:$0x3] =	wrdreg $0x52800  }
0xb0: {  	[dreg:$0x4] =	wrdreg $0x9  }
0xb1: {  	_ =	task.clear_ibuf [dreg:s6], $0x5FFFF;
	_ =	strace $0x90000049  }
0xb2: {  	s29 =	simm.s32 $0x9;
	_ =	strace $0x8000004B  }
0xb3: {  	_ =	swait.ge [sflag:s29], $0x1  }
0xb4: {  	[sflag:s29] =	ssyncadd.s32 $0xFFFFFFFF  }
0xb5: {  	_ =	strace $0x9000004B  }
0xb6: {  	_ =	sfence  }
0xb7: {  	s30 =	sld [smem:$0x0];
	_ =	sdelay $0x2  }
0xb8: {  	s31 =	sshll.u32 s1, $0xD;
	s1 =	sshrl.u32 s1, $0x2  }
0xb9: {  	s3 =	sand.u32 $0x4000, s31;
	s1 =	sadd.s32 s1, s30  }
0xba: {  	s0 =	sor.u32 s3, s0;
	s1 =	sshll.u32 s1, $0x11  }
0xbb: {  	s0 =	sor.u32 s1, s0  }
0xbc: {  	s0 =	sadd.s32 $0x8F2B, s0  }
0xbd: {  	[sflag:s0] =	ssyncadd.remote.s32 $0x1  }
0xbe: {  	_ =	sfence.sel $0xFFFF  }
0xbf: {  	[dreg:$0x0] =	wrdreg $0xFFFFFFFF;
	(pc) =	sbr.abs _section_cstart, $3  }
0xc0: {  	[dreg:$0x1] =	wrdreg $0xFFFFFFFF  }
0xc1: {  	_ =	task.clear_ibuf [dreg:s6], $0x2FFFF;
	_ =	strace $0x9FFFFFFF  }
0xc2: {  	(tm) =	ssettm $0x7FFFFFFF  }
0xc3: {  	_ =	shalt  }
tec
execute0_lowered:
.L_overlay_start_1:
0x0: {  	(tag) =	ssettag $0x1  }
0x1: {  	s0 =	stileid.u32  }
0x2: {  	s1 =	srdreg.scid;
	s6 =	rddreg [dreg:$0x0]  }
0x3: {  	s2 =	rddreg [dreg:$0x1];
	s4 =	smul.u32 $0x27100, s0  }
0x4: {  	s3 =	simm.s32 $0x0;
	s5 =	sand.u32 $0x1, s1;
	s8 =	smul.u32 $0x13880, s0  }
0x5: {  	s14 =	simm.s32 $0x0;
	s26 =	sshll.u32 s0, $0x1;
	s9 =	smul.u32 $0x138800, s5  }
0x6: {  	[smem:$0x7FF] =	sst s3;
	s1 =	sor.u32 s5, s26;
	s13 =	smul.u32 $0x13880, s5  }
0x7: {  	s31 =	sshll.u32 s0, $0x6;
	s11 =	ssub.s32 $0x2, s5;
	s7 =	smul.u32 $0x280, s1  }
0x8: {  	s1 =	rddreg [dreg:$0x2];
	_ =	strace $0x8000004A;
	s10 =	sadd.s32 s4, s6  }
0x9: {  	s4 =	sadd.s32 $0x280400, s6;
	s12 =	sshrl.u32 s11, $0x1;
	s29 =	sadd.s32 s8, s2  }
0xa: {  	s9 =	sadd.s32 s8, s9;
	s28 =	ssub.s32 s11, s12;
	s30 =	sadd.s32 s13, s10  }
0xb: {  	s10 =	sor.u32 $0x1C01, s31;
	s11 =	sshrl.u32 s29, $0x3;
	s12 =	simm.s32 $0x1400  }
0xc: {  	s13 =	simm.s32 $0x7D;
	s7 =	sadd.s32 s7, s6;
	s9 =	sshrl.u32 s9, $0x3  }
0xd: {  	s8 =	sadd.s32 $0x4F1400, s30;
	s6 =	sadd.s32 s9, s6;
	s5 =	sadd.s32 $0x27B400, s7  }
0xe: {  	s7 =	smax.u32 s28, $0x1;
	s9 =	simm.s32 $0x1;
	s6 =	sadd.s32 $0x282C00, s6  }
.LBB2_1:
0xf: {  	[tilespmem:s3], [sflag:$0x1] =	stream.linear.gather [hbm4b:s5+s3], $0x1400, $0x38;
	[tilespmem:$0x18B00] =	vst v63  }
0x10: {  	_ =	swait.ge [sflag:s9], $0x1400  }
0x11: {  	[sflag:s9] =	ssyncset.done $0x0  }
0x12: {  	[sflag:s9] =	ssyncadd.s32 $0xFFFFEC00  }
0x13: {  	[spmem:s11], [sflag:s10] =	dma.local [hbm:s4], $0x2710  }
0x14: {  	_ =	swait.ge [sflag:s9], $0x2710  }
0x15: {  	[sflag:s9] =	ssyncset.done $0x0  }
0x16: {  	[sflag:s9] =	ssyncadd.s32 $0xFFFFD8F0  }
0x17: {  	[bflag:$0x0] =	sbarrier.arrive $0xFFFF  }
0x18: {  	[tilespmem:s12], [sflag:$0x1] =	stream.linear.gather [hbm4b:s8+s3], $0x3E80, $0x38;
	[tilespmem:$0x18B00] =	vst v63  }
0x19: {  	_ =	swait.ge [sflag:s9], $0x3E80  }
0x1a: {  	[sflag:s9] =	ssyncset.done $0x0  }
0x1b: {  	s15 =	simm.s32 $0x0;
	[sflag:s9] =	ssyncadd.s32 $0xFFFFC180  }
0x1c: {  	[spmem:s2] =	stream.indirect.scatter.add.f32 [tilespmem:s12], [sflag:$0x1], $0x80, s15, s13, $0xb8;
	[tilespmem:$0x18B00] =	vst v63  }
0x1d: {  	_ =	swait.ge [sflag:s9], $0x3E80  }
0x1e: {  	s16 =	smov.u32 s8;
	s15 =	simm.s32 $0x200;
	[sflag:s9] =	ssyncset.done $0x0  }
.LBB2_2:
0x1f: {  	p0 =	sne.s32 s15, $0x4E00;
	[sflag:s9] =	ssyncadd.s32 $0xFFFFC180;
	s16 =	sadd.s32 $0x7D0, s16  }
0x20: {  	[tilespmem:s12], [sflag:$0x1] =	stream.linear.gather [hbm4b:s16+s3], $0x3E80, $0x38;
	[tilespmem:$0x18B00] =	vst v63  }
0x21: {  	s17 =	smov.u32 s15;
	s15 =	sadd.s32 $0x200, s15;
	_ =	swait.ge [sflag:s9], $0x3E80  }
.Ltmp0:
0x22: {  	[sflag:s9] =	ssyncset.done $0x0;
	(pc) =	sbr.rel @p0 .LBB2_2-.Ltmp0, $4  }
0x23: {  	s17 =	sshra.s32 s17, $0x2;
	[sflag:s9] =	ssyncadd.s32 $0xFFFFC180  }
0x24: {  	[spmem:s2] =	stream.indirect.scatter.add.f32 [tilespmem:s12], [sflag:$0x1], $0x80, s17, s13, $0xb8;
	[tilespmem:$0x18B00] =	vst v63  }
0x25: {  	_ =	swait.ge [sflag:s9], $0x3E80  }
0x26: {  	[sflag:s9] =	ssyncset.done $0x0  }
0x27: {  	s14 =	sadd.s32 $0x1, s14  }
0x28: {  	[sflag:s9] =	ssyncadd.s32 $0xFFFFC180;
	p0 =	sne.s32 s14, s7  }
.Ltmp1:
0x29: {  	[bflag:$0x0] =	sbarrier.arrive $0xFFFF;
	(pc) =	sbr.rel @p0 .LBB2_1-.Ltmp1, $4  }
0x2a: {  	[hbm:s6], [sflag:s10] =	dma.local [spmem:s11], $0x2710  }
0x2b: {  	_ =	swait.ge [sflag:s9], $0x2710  }
0x2c: {  	[sflag:s9] =	ssyncset.done $0x0  }
0x2d: {  	[sflag:s9] =	ssyncadd.s32 $0xFFFFD8F0  }
0x2e: {  	_ =	sfence.sel $0x180000  }
0x2f: {  	[bflag:$0x0] =	sbarrier.arrive $0xFFFF  }
0x30: {  	p0 =	sne.s32 s0, $0x0;
	_ =	strace $0x9000004A  }
0x31: {  	s0 =	sadd.s32 @!p0 $0x100000, s1;
	[bflag:$0x2] =	sbarrier.arrive $0xFFFF  }
0x32: {  	[sflag:s0] =	ssyncadd.tile.s32 @!p0 $0x1;
	_ =	shalt  }
.Lfunc_end2:
_tile_overlayer_lowered:
.L_overlay_start_2:
0x33: {  	(tag) =	ssettag $0x2  }
0x34: {  	s0 =	rddreg [dreg:$0x0];
	s2 =	stileid.u32  }
0x35: {  	s1 =	rddreg [dreg:$0x1];
	p0 =	sne.s32 s2, $0x0  }
0x36: {  	s3 =	rddreg [dreg:$0x2];
	[bflag:$0x3] =	sbarrier.arrive $0xFFFF;
	s2 =	simm.s32 @!p0 $0x1C01  }
0x37: {  	[timem:s3], [sflag:s2] =	dma.local @!p0 [hbm:s0], s1  }
0x38: {  	s0 =	simm.s32 @!p0 $0x1  }
0x39: {  	_ =	swait.ge @!p0 [sflag:s0], s1  }
0x3a: {  	s1 =	ssub.s32 @!p0 $0x0, s1;
	[sflag:s0] =	ssyncset.done @!p0 $0x0  }
0x3b: {  	[sflag:s0] =	ssyncadd.s32 @!p0 s1  }
0x3c: {  	[bflag:$0x3] =	sbarrier.arrive $0xFFFF  }
0x3d: {  	_ =	shalt  }

// kernel: kernel.8.cloned.1.call-start
scs
__scs_entry_jumppad:
0x0: {  	(pc) =	sbr.rel $0x88, $3  }
0x1: {  	(tag) =	ssettag $0x0;
	lr =	simm.s32 $0x1  }
0x2: {  	[smem:$0x3F97] =	sst lr;
	_ =	strace $0xD0000000  }
0x3: {  	_ = 	snop  }
0x4: {  	_ = 	snop  }
0x5: {  	_ = 	snop  }
0x6: {  	_ = 	snop  }
0x7: {  	_ = 	snop  }
__scs_overlays_trampoline_lowered:
0x8: {  	[smem:$0x3FA6] =	sst s0  }
0x9: {  	[smem:$0x3FA7] =	sst s1  }
0xa: {  	[smem:$0x3FA8] =	sst s2  }
0xb: {  	[smem:$0x3FA9] =	sst s3  }
0xc: {  	[smem:$0x3FAA] =	sst s4  }
0xd: {  	[smem:$0x3FAB] =	sst s5  }
0xe: {  	[smem:$0x3FAC] =	sst s6  }
0xf: {  	[smem:$0x3FAD] =	sst s7  }
0x10: {  	[smem:$0x3FAE] =	sst s8  }
0x11: {  	[smem:$0x3FAF] =	sst s9;
	s0 =	simm.s32 @!p0 $0x0  }
0x12: {  	s1 =	sld [smem:$0x3F95];
	s0 =	simm.s32 @p0 $0x1  }
0x13: {  	[smem:$0x3FB0] =	sst s0;
	s0 =	simm.s32 @!p1 $0x0  }
0x14: {  	s2 =	sld [smem:$0x3F94];
	s0 =	simm.s32 @p1 $0x1  }
0x15: {  	[smem:$0x3FB1] =	sst s0;
	s0 =	simm.s32 @!p2 $0x0  }
0x16: {  	s3 =	sld [smem:$0x3FDB];
	s0 =	simm.s32 @p2 $0x1  }
0x17: {  	s4 =	simm.s32 $0x1BF5;
	[smem:$0x3FB3] =	sst s0  }
0x18: {  	s0 =	sld [smem:$0x3F96];
	_ =	swait.ge [sflag:s4], $0x0  }
0x19: {  	s7 =	sld [smem:$0x3F97]  }
0x1a: {  	s8 =	sadd.s32 $0xFFFFE003, lr  }
0x1b: {  	s9 =	sadd.s32 $0xFFFFFEF7, lr;
	s5 =	simm.s32 $0xFFFFFFFF;
	p2 =	slt.u32 s8, $0xFFFFF086  }
0x1c: {  	p1 =	slt.u32 s9, $0xF7A;
	s5 =	simm.s32 @!p2 $0x0  }
0x1d: {  	s5 =	simm.s32 @p1 $0x1;
	p0 =	seq.s32 s7, s2  }
0x1e: {  	s7 =	smul.u32 @!p0 $0xF7A, s2;
	p2 =	seq.s32 @!p0 s5, $0x0  }
0x1f: {  	s9 =	smul.u32 $0xF7A, s1;
	s8 =	simm.s32 @!p0 $0x1BF5;
	p2 =	por !p2, p0  }
0x20: {  	[sflag:s8] =	ssyncset.s32 @!p0 $0xFFFFF086;
	s6 =	sadd.s32 @!p0 s3, s7;
	s7 =	simm.s32 @!p0 $0x108  }
0x21: {  	s3 =	sadd.s32 s3, s9;
	s6 =	sadd.s32 @!p0 $0x88, s6;
	s7 =	simm.s32 @p2 $0x1082  }
0x22: {  	[simem:s7], [sflag:s8] =	dma.local @!p0 [hbm:s6], $0xF7A  }
0x23: {  	s9 =	sor.u32 $0xD0000000, s2;
	s6 =	simm.s32 $0x108;
	_ =	swait.ge @!p0 [sflag:s8], $0x0  }
0x24: {  	s3 =	sadd.s32 $0x88, s3;
	s6 =	simm.s32 @!p1 $0x1082;
	[sflag:s4] =	ssyncset.s32 $0xFFFFF086  }
0x25: {  	[simem:s6], [sflag:s4] =	dma.local [hbm:s3], $0xF7A  }
0x26: {  	[smem:$0x3F97] =	sst s1;
	(tag) =	ssettag s2;
	_ =	strace s9  }
0x27: {  	s1 =	sld [smem:$0x3FA7]  }
0x28: {  	s2 =	sld [smem:$0x3FA8]  }
0x29: {  	s4 =	sld [smem:$0x3FAA]  }
0x2a: {  	p0 =	seq.s32 s5, $0x0;
	s5 =	sld [smem:$0x3FAB]  }
0x2b: {  	s6 =	sld [smem:$0x3FAC]  }
0x2c: {  	s7 =	sld [smem:$0x3FAD]  }
0x2d: {  	s3 =	simm.s32 $0x108;
	s8 =	sld [smem:$0x3FAE]  }
0x2e: {  	s3 =	simm.s32 @!p0 $0x1082;
	s9 =	sld [smem:$0x3FAF]  }
0x2f: {  	lr =	sadd.s32 s0, s3;
	s0 =	sld [smem:$0x3FA6]  }
0x30: {  	s3 =	sld [smem:$0x3FA9]  }
0x31: {  	[smem:$0x3FB2] =	sst s10  }
0x32: {  	s10 =	sld [smem:$0x3FB0];
	_ =	sdelay $0x3  }
0x33: {  	p0 =	seq.s32 s10, $0x1;
	s10 =	sld [smem:$0x3FB2];
	_ =	sdelay $0x3  }
0x34: {  	[smem:$0x3FB2] =	sst s10  }
0x35: {  	s10 =	sld [smem:$0x3FB1];
	_ =	sdelay $0x3  }
0x36: {  	p1 =	seq.s32 s10, $0x1;
	s10 =	sld [smem:$0x3FB2];
	_ =	sdelay $0x3  }
0x37: {  	[smem:$0x3FB2] =	sst s10  }
0x38: {  	s10 =	sld [smem:$0x3FB3]  }
0x39: {  	_ = 	snop;
	(pc) =	sbr.ind lr, $3  }
0x3a: {  	_ = 	snop  }
0x3b: {  	_ = 	snop  }
0x3c: {  	p2 =	seq.s32 s10, $0x1;
	s10 =	sld [smem:$0x3FB2]  }
0x3d: {  	_ =	shalt  }
0x3e: {  	_ =	shalt  }
0x3f: {  	_ =	shalt  }
0x40: {  	_ =	shalt  }
0x41: {  	_ =	shalt  }
0x42: {  	_ =	shalt  }
0x43: {  	_ =	shalt  }
0x44: {  	_ =	shalt  }
0x45: {  	_ =	shalt  }
0x46: {  	_ =	shalt  }
0x47: {  	_ =	shalt  }
0x48: {  	_ =	shalt  }
0x49: {  	_ =	shalt  }
0x4a: {  	_ =	shalt  }
0x4b: {  	_ =	shalt  }
0x4c: {  	_ =	shalt  }
0x4d: {  	_ =	shalt  }
0x4e: {  	_ =	shalt  }
0x4f: {  	_ =	shalt  }
0x50: {  	_ =	shalt  }
0x51: {  	_ =	shalt  }
0x52: {  	_ =	shalt  }
0x53: {  	_ =	shalt  }
0x54: {  	_ =	shalt  }
0x55: {  	_ =	shalt  }
0x56: {  	_ =	shalt  }
0x57: {  	_ =	shalt  }
0x58: {  	_ =	shalt  }
0x59: {  	_ =	shalt  }
0x5a: {  	_ =	shalt  }
0x5b: {  	_ =	shalt  }
0x5c: {  	_ =	shalt  }
0x5d: {  	_ =	shalt  }
0x5e: {  	_ =	shalt  }
0x5f: {  	_ =	shalt  }
0x60: {  	_ =	shalt  }
0x61: {  	_ =	shalt  }
0x62: {  	_ =	shalt  }
0x63: {  	_ =	shalt  }
0x64: {  	_ =	shalt  }
0x65: {  	_ =	shalt  }
0x66: {  	_ =	shalt  }
0x67: {  	_ =	shalt  }
0x68: {  	_ =	shalt  }
0x69: {  	_ =	shalt  }
0x6a: {  	_ =	shalt  }
0x6b: {  	_ =	shalt  }
0x6c: {  	_ =	shalt  }
0x6d: {  	_ =	shalt  }
0x6e: {  	_ =	shalt  }
0x6f: {  	_ =	shalt  }
0x70: {  	_ =	shalt  }
0x71: {  	_ =	shalt  }
0x72: {  	_ =	shalt  }
0x73: {  	_ =	shalt  }
0x74: {  	_ =	shalt  }
0x75: {  	_ =	shalt  }
0x76: {  	_ =	shalt  }
0x77: {  	_ =	shalt  }
0x78: {  	_ =	shalt  }
0x79: {  	_ =	shalt  }
0x7a: {  	_ =	shalt  }
0x7b: {  	_ =	shalt  }
0x7c: {  	_ =	shalt  }
0x7d: {  	_ =	shalt  }
0x7e: {  	_ =	shalt  }
0x7f: {  	_ =	shalt  }
0x80: {  	_ =	shalt  }
0x81: {  	_ =	shalt  }
0x82: {  	_ =	shalt  }
0x83: {  	_ =	shalt  }
0x84: {  	_ =	shalt  }
0x85: {  	_ =	shalt  }
0x86: {  	_ =	shalt  }
0x87: {  	_ =	shalt  }
.Lfunc_end0:
.L_simem_size_0:
called_computation_lowered:
.L_overlay_start_0:
0x88: {  	s2 =	sld [smem:$0x3FD9]  }
0x89: {  	s3 =	sld [smem:$0x3FFE];
	_ =	sdelay $0x1  }
0x8a: {  	s1 =	srdreg.scid  }
0x8b: {  	s0 =	sand.u32 $0x1, s1  }
0x8c: {  	s17 =	sshll.u32 s0, $0xA;
	s2 =	sadd.s32 s3, s2  }
0x8d: {  	s2 =	sadd.s32 s2, s17  }
0x8e: {  	[smem:$0x3FBE] =	sst s2  }
0x8f: {  	_ = 	snop  }
0x90: {  	s2 =	sld [smem:$0x3FC8];
	(tm) =	ssettm $0x1  }
0x91: {  	s18 =	sld [smem:$0x3FFB];
	_ =	sdelay $0x3  }
0x92: {  	_ =	strace s18  }
0x93: {  	s3 =	sld [smem:$0x3FFC];
	_ =	sdelay $0x3  }
0x94: {  	_ =	strace s3  }
0x95: {  	s3 =	sld [smem:$0x3FFD];
	_ =	sdelay $0x3  }
0x96: {  	_ =	strace s3  }
0x97: {  	_ =	strace $0x8FFFFFFF  }
0x98: {  	s19 =	sld [smem:$0x3FDB];
	_ =	sdelay $0x1  }
0x99: {  	s4 =	simm.s32 $_scs_section_size  }
0x9a: {  	s5 =	simm.s32 $_size__tile_overlayer_lowered;
	s6 =	simm.s32 $_tile_overlayer_lowered  }
0x9b: {  	s22 =	simm.s32 $0x1BFF;
	s21 =	sshll.u32 s6, $0x1;
	s3 =	sadd.s32 s4, s19  }
0x9c: {  	s7 =	simm.s32 $0x0;
	s20 =	sshll.u32 s5, $0x1;
	s5 =	sadd.s32 s21, s3  }
0x9d: {  	[timem:s7], [sflag:s22] =	dma.local [hbm:s5], s20  }
0x9e: {  	_ =	swait.ge [sflag:s22], s20  }
0x9f: {  	s4 =	ssub.s32 $0x0, s20;
	[sflag:s22] =	ssyncset.done $0x0  }
0xa0: {  	[sflag:s22] =	ssyncadd.s32 s4;
	_ =	sdelay $0x1  }
0xa1: {  	s23 =	simm.s32 $0x1B8B  }
0xa2: {  	_ =	swait.ge [sflag:s23], $0x1  }
0xa3: {  	[sflag:s23] =	ssyncset.done $0x0  }
0xa4: {  	s25 =	simm.s32 $0x1B8E;
	s24 =	sld [smem:$0x3FFE];
	[sflag:s23] =	ssyncadd.s32 $0xFFFFFFFF  }
0xa5: {  	s26 =	simm.s32 $execute0_lowered;
	[smem:$0x3FD2] =	sst s25  }
0xa6: {  	s5 =	sshll.u32 s26, $0x1;
	_ =	strace $0x80000046;
	[dreg:$0x1] =	wrdreg $0xFFFFFFFF  }
0xa7: {  	s28 =	simm.s32 $_size_execute0_lowered;
	s3 =	sadd.s32 s3, s5;
	[dreg:$0x0] =	wrdreg $0x0  }
0xa8: {  	s5 =	sshll.u32 s28, $0x1;
	[dreg:$0x2] =	wrdreg s3  }
0xa9: {  	[dreg:$0x3] =	wrdreg s5  }
0xaa: {  	[dreg:$0x4] =	wrdreg $0xC0  }
0xab: {  	_ =	task [dreg:s7], $0x5FFFF  }
0xac: {  	[dreg:$0x1] =	wrdreg $0xFFFFFFFF  }
0xad: {  	[dreg:$0x0] =	wrdreg $0x60  }
0xae: {  	[dreg:$0x2] =	wrdreg s2  }
0xaf: {  	[dreg:$0x3] =	wrdreg s24  }
0xb0: {  	[dreg:$0x4] =	wrdreg $0x9  }
0xb1: {  	_ =	task.clear_ibuf [dreg:s7], $0x5FFFF;
	_ =	strace $0x90000046  }
0xb2: {  	s29 =	simm.s32 $0x9;
	_ =	strace $0x80000048  }
0xb3: {  	_ =	swait.ge [sflag:s29], $0x1  }
0xb4: {  	[sflag:s29] =	ssyncadd.s32 $0xFFFFFFFF  }
0xb5: {  	_ =	strace $0x90000048  }
0xb6: {  	_ =	sfence  }
0xb7: {  	s30 =	sld [smem:$0x0];
	_ =	sdelay $0x2  }
0xb8: {  	s31 =	sshll.u32 s1, $0xD;
	s1 =	sshrl.u32 s1, $0x2  }
0xb9: {  	s3 =	sand.u32 $0x4000, s31;
	s1 =	sadd.s32 s1, s30  }
0xba: {  	s0 =	sor.u32 s3, s0;
	s1 =	sshll.u32 s1, $0x11  }
0xbb: {  	s0 =	sor.u32 s1, s0  }
0xbc: {  	s0 =	sadd.s32 $0x8F2B, s0  }
0xbd: {  	[sflag:s0] =	ssyncadd.remote.s32 $0x1  }
0xbe: {  	_ =	sfence.sel $0xFFFF  }
0xbf: {  	[dreg:$0x0] =	wrdreg $0xFFFFFFFF;
	(pc) =	sbr.abs _section_cstart, $3  }
0xc0: {  	[dreg:$0x1] =	wrdreg $0xFFFFFFFF  }
0xc1: {  	_ =	task.clear_ibuf [dreg:s7], $0x2FFFF;
	_ =	strace $0x9FFFFFFF  }
0xc2: {  	(tm) =	ssettm $0x7FFFFFFF  }
0xc3: {  	_ =	shalt  }
tec
execute0_lowered:
.L_overlay_start_1:
0x0: {  	(tag) =	ssettag $0x1  }
0x1: {  	s1 =	srdreg.scid;
	s2 =	rddreg [dreg:$0x0]  }
0x2: {  	s0 =	stileid.u32;
	s5 =	rddreg [dreg:$0x1];
	s3 =	simm.s32 $0x0  }
0x3: {  	s7 =	simm.s32 $0x1;
	s4 =	sand.u32 $0x1, s1;
	s30 =	sshll.u32 s0, $0x1  }
0x4: {  	s8 =	simm.s32 $0x2780;
	s9 =	simm.s32 $0x3B80;
	s1 =	sor.u32 s4, s30  }
0x5: {  	[smem:$0x7FF] =	sst s3;
	s4 =	ssub.s32 $0x2, s4;
	s6 =	smul.u32 $0x271, s1  }
0x6: {  	s10 =	simm.s32 $0x0;
	s1 =	rddreg [dreg:$0x2];
	s31 =	sshrl.u32 s4, $0x1  }
0x7: {  	_ =	strace $0x80000047;
	s5 =	sadd.s32 s6, s5;
	s6 =	ssub.s32 s4, s31  }
0x8: {  	s4 =	sadd.s32 $0x400, s5;
	s5 =	sadd.s32 $0x5400, s5;
	s6 =	smax.u32 s6, $0x1  }
.LBB2_1:
0x9: {  	[tilespmem:s3], [sflag:$0x1] =	stream.linear.gather [hbm4b:s2+s3], $0x2780, $0x38;
	[tilespmem:$0x4F80] =	vst v63  }
0xa: {  	_ =	swait.ge [sflag:s7], $0x2780  }
0xb: {  	[sflag:s7] =	ssyncset.done $0x0  }
0xc: {  	[sflag:s7] =	ssyncadd.s32 $0xFFFFD880  }
0xd: {  	[tilespmem:s8], [sflag:$0x1] =	stream.linear.gather [hbm4b:s4+s3], $0x1398, $0x38;
	[tilespmem:$0x4F80] =	vst v63  }
0xe: {  	_ =	swait.ge [sflag:s7], $0x1398  }
0xf: {  	[sflag:s7] =	ssyncset.done $0x0  }
0x10: {  	s11 =	simm.s32 $0x0;
	[sflag:s7] =	ssyncadd.s32 $0xFFFFEC68  }
0x11: {  	v0 =	vld [tilespmem:s11+$0x2780];
	_ =	sdelay $0x7  }
0x12: {  	s12 =	simm.s32 $0x10;
	s13 =	simm.s32 $0x80;
	v0 =	vld.idx.msk [tilespmem:v0+s3+$0x0], $0xffff  }
.LBB2_2:
0x13: {  	p0 =	sne.s32 s13, $0x4E00;
	v1 =	vld [tilespmem:s12+$0x2780];
	_ =	sdelay $0x3  }
.Ltmp0:
0x14: {  	(pc) =	sbr.rel @p0 .LBB2_2-.Ltmp0, $2  }
0x15: {  	[tilespmem:s11+$0x3B80] =	vst v0;
	s11 =	smov.u32 s12;
	_ =	sdelay $0x2  }
0x16: {  	s12 =	sshra.s32 s13, $0x2;
	s13 =	sadd.s32 $0x40, s13;
	v0 =	vld.idx.msk [tilespmem:v1+s3+$0x0], $0xffff  }
0x17: {  	v1 =	vld [tilespmem:s12+$0x2780];
	_ =	sdelay $0x6  }
0x18: {  	[tilespmem:s11+$0x3B80] =	vst v0  }
0x19: {  	v0 =	vld.idx.msk [tilespmem:v1+s3+$0x0], $0xffff;
	_ =	sdelay $0x2  }
0x1a: {  	s10 =	sadd.s32 $0x1, s10  }
0x1b: {  	p0 =	sne.s32 s10, s6  }
.Ltmp1:
0x1c: {  	[tilespmem:s12+$0x3B80] =	vst v0;
	(pc) =	sbr.rel @p0 .LBB2_1-.Ltmp1, $4  }
0x1d: {  	[hbm4b:s5+s3] =	stream.linear.scatter [tilespmem:s9], [sflag:$0x1], $0x1388, $0x38;
	[tilespmem:$0x4F80] =	vst v63  }
0x1e: {  	_ =	swait.ge [sflag:s7], $0x1388  }
0x1f: {  	[sflag:s7] =	ssyncset.done $0x0  }
0x20: {  	[sflag:s7] =	ssyncadd.s32 $0xFFFFEC78  }
0x21: {  	_ =	sfence.sel $0x180000  }
0x22: {  	[bflag:$0x0] =	sbarrier.arrive $0xFFFF  }
0x23: {  	p0 =	sne.s32 s0, $0x0;
	_ =	strace $0x90000047  }
0x24: {  	s0 =	sadd.s32 @!p0 $0x100000, s1;
	[bflag:$0x2] =	sbarrier.arrive $0xFFFF  }
0x25: {  	[sflag:s0] =	ssyncadd.tile.s32 @!p0 $0x1;
	_ =	shalt  }
.Lfunc_end2:
_tile_overlayer_lowered:
.L_overlay_start_2:
0x26: {  	(tag) =	ssettag $0x2  }
0x27: {  	s0 =	rddreg [dreg:$0x0];
	s2 =	stileid.u32  }
0x28: {  	s1 =	rddreg [dreg:$0x1];
	p0 =	sne.s32 s2, $0x0  }
0x29: {  	s3 =	rddreg [dreg:$0x2];
	[bflag:$0x3] =	sbarrier.arrive $0xFFFF;
	s2 =	simm.s32 @!p0 $0x1C01  }
0x2a: {  	[timem:s3], [sflag:s2] =	dma.local @!p0 [hbm:s0], s1  }
0x2b: {  	s0 =	simm.s32 @!p0 $0x1  }
0x2c: {  	_ =	swait.ge @!p0 [sflag:s0], s1  }
0x2d: {  	s1 =	ssub.s32 @!p0 $0x0, s1;
	[sflag:s0] =	ssyncset.done @!p0 $0x0  }
0x2e: {  	[sflag:s0] =	ssyncadd.s32 @!p0 s1  }
0x2f: {  	[bflag:$0x3] =	sbarrier.arrive $0xFFFF  }
0x30: {  	_ =	shalt  }

</sc_bundles>
